<compile_context>
chip_gen: v7x
topology: tpu7x:2x2x1
jax: 0.10.2.dev20260603
libtpu: 0.0.44.dev20260713+nightly
codegen_flags: <defaults>
</compile_context>

<pallas_src>
import jax
import jax.numpy as jnp
from jax import lax
from jax.experimental import pallas as pl
from jax.experimental.pallas import tpu as pltpu
from jax.experimental.pallas import tpu_sc as plsc

_NUM_CORES = 2
_NUM_SUBCORES = 16
_NW = _NUM_CORES * _NUM_SUBCORES
_LANES = 16

_K = 2000

_ACOS_COEF = (
    1.5707288,
    -0.2121144,
    0.0742610,
    -0.0187293,
)


def _sqrt_sc(x):
    i = plsc.bitcast(x, jnp.int32)
    i = jnp.int32(0x5F3759DF) - (i >> 1)
    y = plsc.bitcast(i, jnp.float32)
    for _ in range(2):
        y = y * (jnp.float32(1.5) - jnp.float32(0.5) * x * y * y)
    return x * y


def _acos_sc(t):
    ax = jnp.abs(t)
    s = _sqrt_sc(jnp.maximum(jnp.float32(1.0) - ax, jnp.float32(0.0)))
    p = jnp.float32(_ACOS_COEF[-1])
    for c in _ACOS_COEF[-2::-1]:
        p = p * ax + jnp.float32(c)
    r = s * p
    r = jnp.where(t < jnp.float32(0.0), jnp.float32(3.14159265358979) - r, r)
    return jnp.where(ax > jnp.float32(1.0), jnp.float32(jnp.nan), r)


_CK = 2000


def _sc_table_body(d_hbm, vx_hbm, vy_hbm, vz_hbm, out_hbm,
                   dbuf0, dbuf1, xbuf0, xbuf1, ybuf0, ybuf1, zbuf0, zbuf1,
                   tbuf0, tbuf1, semi0, semi1, semw0, semw1):
    e = d_hbm.shape[0]
    per_tile = e // _NW
    nchunk = per_tile // _CK
    npair = nchunk // 2

    wid = lax.axis_index("s") * _NUM_CORES + lax.axis_index("c")
    base = wid * per_tile

    iota16 = lax.iota(jnp.int32, _LANES)
    zeros16 = jnp.zeros((_LANES,), jnp.float32)
    zrow = iota16 >> 3
    zcol = iota16 & 7

    dbuf = (dbuf0, dbuf1)
    xbuf = (xbuf0, xbuf1)
    ybuf = (ybuf0, ybuf1)
    zbuf = (zbuf0, zbuf1)
    tbuf = (tbuf0, tbuf1)
    semi = (semi0, semi1)
    semw = (semw0, semw1)

    def zbody(j, c):
        plsc.store_scatter(tbuf0, [j * 2 + zrow, zcol], zeros16)
        plsc.store_scatter(tbuf1, [j * 2 + zrow, zcol], zeros16)
        return c

    lax.fori_loop(0, (8 * _CK) // _LANES, zbody, 0)

    def start_in(c, b):
        off = base + c * _CK
        pltpu.async_copy(d_hbm.at[pl.ds(off, _CK)], dbuf[b], semi[b])
        pltpu.async_copy(vx_hbm.at[pl.ds(off, _CK)], xbuf[b], semi[b])
        pltpu.async_copy(vy_hbm.at[pl.ds(off, _CK)], ybuf[b], semi[b])
        pltpu.async_copy(vz_hbm.at[pl.ds(off, _CK)], zbuf[b], semi[b])

    def wait_in(b):
        for hbm, buf in ((d_hbm, dbuf[b]), (vx_hbm, xbuf[b]),
                         (vy_hbm, ybuf[b]), (vz_hbm, zbuf[b])):
            pltpu.make_async_copy(hbm.at[pl.ds(0, _CK)], buf, semi[b]).wait()

    def start_wb(c, b):
        off = base + c * _CK
        pltpu.async_copy(tbuf[b], out_hbm.at[pl.ds(off, _CK)], semw[b])

    def wait_wb(b):
        pltpu.make_async_copy(tbuf[b], out_hbm.at[pl.ds(0, _CK)], semw[b]).wait()

    def compute(b):
        def group_body(g, c2):
            sl = pl.ds(g * _LANES, _LANES)
            dd = jnp.maximum(dbuf[b][sl], 1e-5)
            rows = g * _LANES + iota16
            for c, buf in enumerate((xbuf[b], ybuf[b], zbuf[b])):
                plsc.store_scatter(tbuf[b],
                                   [rows, jnp.full((_LANES,), c, jnp.int32)],
                                   buf[sl] / dd)
            return c2

        lax.fori_loop(0, _CK // _LANES, group_body, 0)

    start_in(0, 0)
    start_in(1, 1)

    def pair_body(j, carry):
        wait_in(0)

        @pl.when(j > 0)
        def _():
            wait_wb(0)

        compute(0)
        start_wb(2 * j, 0)

        @pl.when(j + 1 < npair)
        def _():
            start_in(2 * j + 2, 0)

        wait_in(1)

        @pl.when(j > 0)
        def _():
            wait_wb(1)

        compute(1)
        start_wb(2 * j + 1, 1)

        @pl.when(j + 1 < npair)
        def _():
            start_in(2 * j + 3, 1)

        return carry

    lax.fori_loop(0, npair, pair_body, 0)
    wait_wb(0)
    wait_wb(1)


def _build_table(distances, vx, vy, vz):
    e = distances.shape[0]
    assert e % (_NW * _CK) == 0 and (e // (_NW * _CK)) % 2 == 0
    mesh = plsc.VectorSubcoreMesh(core_axis_name="c", subcore_axis_name="s")
    f32 = jnp.float32
    return pl.kernel(
        _sc_table_body,
        out_type=jax.ShapeDtypeStruct((e, 8), f32),
        mesh=mesh,
        compiler_params=pltpu.CompilerParams(
            needs_layout_passes=False, use_tc_tiling_on_sc=False
        ),
        scratch_types=(
            [pltpu.VMEM((_CK,), f32) for _ in range(8)]
            + [pltpu.VMEM((_CK, 8), f32) for _ in range(2)]
            + [pltpu.SemaphoreType.DMA for _ in range(4)]
        ),
    )(distances, vx, vy, vz)


def _sc_body(table_hbm, src_hbm, dst_hbm, out_hbm,
             sidx0, sidx1, didx0, didx1, srows0, srows1, drows0, drows1,
             obuf0, obuf1, semi0, semi1, semg0, semg1, semw0, semw1):
    a = src_hbm.shape[0]
    per_tile = a // _NW
    nchunk = per_tile // _K
    npair = nchunk // 2
    ngroups = _K // _LANES

    wid = lax.axis_index("s") * _NUM_CORES + lax.axis_index("c")
    base = wid * per_tile

    iota16 = lax.iota(jnp.int32, _LANES)
    c0 = jnp.zeros((_LANES,), jnp.int32)
    c1 = jnp.full((_LANES,), 1, jnp.int32)
    c2 = jnp.full((_LANES,), 2, jnp.int32)

    sidx = (sidx0, sidx1)
    didx = (didx0, didx1)
    srows = (srows0, srows1)
    drows = (drows0, drows1)
    obuf = (obuf0, obuf1)
    semi = (semi0, semi1)
    semg = (semg0, semg1)
    semw = (semw0, semw1)

    def start_idx(c, b):
        off = base + c * _K
        pltpu.async_copy(src_hbm.at[pl.ds(off, _K)], sidx[b], semi[b])
        pltpu.async_copy(dst_hbm.at[pl.ds(off, _K)], didx[b], semi[b])

    def wait_idx(b):
        pltpu.make_async_copy(src_hbm.at[pl.ds(0, _K)], sidx[b], semi[b]).wait()
        pltpu.make_async_copy(dst_hbm.at[pl.ds(0, _K)], didx[b], semi[b]).wait()

    def start_gather(b):
        pltpu.async_copy(table_hbm.at[sidx[b]], srows[b], semg[b])
        pltpu.async_copy(table_hbm.at[didx[b]], drows[b], semg[b])

    def wait_gather(b):
        pltpu.make_async_copy(table_hbm.at[sidx[b]], srows[b], semg[b]).wait()
        pltpu.make_async_copy(table_hbm.at[didx[b]], drows[b], semg[b]).wait()

    def start_wb(c, b):
        off = base + c * _K
        pltpu.async_copy(obuf[b], out_hbm.at[pl.ds(off, _K)], semw[b])

    def wait_wb(b):
        pltpu.make_async_copy(obuf[b], out_hbm.at[pl.ds(0, _K)], semw[b]).wait()

    def compute(b):
        sb, db, ob = srows[b], drows[b], obuf[b]

        def group_body(g, carry2):
            rows = g * _LANES + iota16
            sx = plsc.load_gather(sb, [rows, c0])
            sy = plsc.load_gather(sb, [rows, c1])
            sz = plsc.load_gather(sb, [rows, c2])
            dx = plsc.load_gather(db, [rows, c0])
            dy = plsc.load_gather(db, [rows, c1])
            dz = plsc.load_gather(db, [rows, c2])
            cos = sx * dx + sy * dy + sz * dz
            t = jnp.float32(0.95) * cos
            ob[pl.ds(g * _LANES, _LANES)] = _acos_sc(t)
            return carry2

        lax.fori_loop(0, ngroups, group_body, 0)

    start_idx(0, 0)
    wait_idx(0)
    start_gather(0)
    start_idx(1, 1)

    def pair_body(j, carry):
        wait_idx(1)
        start_gather(1)
        wait_gather(0)

        @pl.when(j > 0)
        def _():
            wait_wb(0)

        @pl.when(j + 1 < npair)
        def _():
            start_idx(2 * j + 2, 0)

        compute(0)
        start_wb(2 * j, 0)

        @pl.when(j + 1 < npair)
        def _():
            wait_idx(0)
            start_gather(0)

        wait_gather(1)

        @pl.when(j > 0)
        def _():
            wait_wb(1)

        @pl.when(j + 1 < npair)
        def _():
            start_idx(2 * j + 3, 1)

        compute(1)
        start_wb(2 * j + 1, 1)
        return carry

    lax.fori_loop(0, npair, pair_body, 0)
    wait_wb(0)
    wait_wb(1)


def _sc_angles(table, angle_src, angle_dst):
    a = angle_src.shape[0]
    assert (a // (_NW * _K)) % 2 == 0
    mesh = plsc.VectorSubcoreMesh(core_axis_name="c", subcore_axis_name="s")
    return pl.kernel(
        _sc_body,
        out_type=jax.ShapeDtypeStruct((a,), jnp.float32),
        mesh=mesh,
        compiler_params=pltpu.CompilerParams(
            needs_layout_passes=False, use_tc_tiling_on_sc=False
        ),
        scratch_types=[
            pltpu.VMEM((_K,), jnp.int32),
            pltpu.VMEM((_K,), jnp.int32),
            pltpu.VMEM((_K,), jnp.int32),
            pltpu.VMEM((_K,), jnp.int32),
            pltpu.VMEM((_K, 8), jnp.float32),
            pltpu.VMEM((_K, 8), jnp.float32),
            pltpu.VMEM((_K, 8), jnp.float32),
            pltpu.VMEM((_K, 8), jnp.float32),
            pltpu.VMEM((_K,), jnp.float32),
            pltpu.VMEM((_K,), jnp.float32),
            pltpu.SemaphoreType.DMA,
            pltpu.SemaphoreType.DMA,
            pltpu.SemaphoreType.DMA,
            pltpu.SemaphoreType.DMA,
            pltpu.SemaphoreType.DMA,
            pltpu.SemaphoreType.DMA,
        ],
    )(table, angle_src, angle_dst)


def kernel(distances, vec, angle_src, angle_dst):
    table = _build_table(distances, vec[:, 0], vec[:, 1], vec[:, 2])
    return _sc_angles(table, angle_src, angle_dst)

# --- scband reference (transcript-rebuilt; emitter-appended) ---
"""Pipeline reference for scband-graph-angle-processor-64012192579964 (READ-ONLY COPY).

The authoritative reference and input builder live on the scoring server;
editing this copy changes nothing except your own understanding.
"""

import jax, jax.numpy as jnp
import numpy as np

E = 3200000
A = 12800000

def setup_inputs(seed: int = 0) -> dict:
    key = jax.random.key(seed)
    k1, k2, k3, k4 = jax.random.split(key, 4)
    distances = jax.random.uniform(k1, (E,), dtype=jnp.float32)
    vec = jax.random.normal(k2, (E, 3), dtype=jnp.float32)
    angle_src = jax.random.randint(k3, (A,), 0, E, dtype=jnp.int64 if jax.config.jax_enable_x64 else jnp.int32).astype(jnp.int32)
    angle_dst = jax.random.randint(k4, (A,), 0, E, dtype=jnp.int64 if jax.config.jax_enable_x64 else jnp.int32).astype(jnp.int32)
    return {"distances": distances, "vec": vec, "angle_src": angle_src, "angle_dst": angle_dst}

def reference(distances, vec, angle_src, angle_dst):
    # dir = vec / clamp(distances, min=1e-5)
    d = jnp.maximum(distances[:, None], 1e-05)
    dirs = vec / d
    # gather edge direction vectors for each angle pair (SparseCore gather)
    src_dir = jnp.take(dirs, angle_src, axis=0)
    dst_dir = jnp.take(dirs, angle_dst, axis=0)
    cos_angles = jnp.sum(src_dir * dst_dir, axis=-1)
    angles = jnp.arccos(0.95 * cos_angles)
    return angles

if __name__ == "__main__":
    import jax
    _d = setup_inputs()
    print(jax.jit(kernel)(*tuple(_d.values())))

</pallas_src>

<mosaic_0001>
#map = affine_map<(d0, d1) -> (0)>
#map1 = affine_map<(d0, d1) -> (0, 0)>
module attributes {stable_mosaic.version = 14 : i64} {
  func.func @_sc_table_body(%arg0: i32, %arg1: i32, %arg2: memref<3200000xf32, #tpu.memory_space<hbm>>, %arg3: memref<3200000xf32, #tpu.memory_space<hbm>>, %arg4: memref<3200000xf32, #tpu.memory_space<hbm>>, %arg5: memref<3200000xf32, #tpu.memory_space<hbm>>, %arg6: memref<3200000x8xf32, #tpu.memory_space<hbm>>, %arg7: memref<2000xf32, #tpu.memory_space<vmem>>, %arg8: memref<2000xf32, #tpu.memory_space<vmem>>, %arg9: memref<2000xf32, #tpu.memory_space<vmem>>, %arg10: memref<2000xf32, #tpu.memory_space<vmem>>, %arg11: memref<2000xf32, #tpu.memory_space<vmem>>, %arg12: memref<2000xf32, #tpu.memory_space<vmem>>, %arg13: memref<2000xf32, #tpu.memory_space<vmem>>, %arg14: memref<2000xf32, #tpu.memory_space<vmem>>, %arg15: memref<2000x8xf32, #tpu.memory_space<vmem>>, %arg16: memref<2000x8xf32, #tpu.memory_space<vmem>>, %arg17: memref<!tpu.dma_semaphore, #tpu.memory_space<semaphore_mem>>, %arg18: memref<!tpu.dma_semaphore, #tpu.memory_space<semaphore_mem>>, %arg19: memref<!tpu.dma_semaphore, #tpu.memory_space<semaphore_mem>>, %arg20: memref<!tpu.dma_semaphore, #tpu.memory_space<semaphore_mem>>) attributes {dimension_semantics = [#tpu.dimension_semantics<core_parallel>, #tpu.dimension_semantics<subcore_parallel>], iteration_bounds = array<i64: 2, 16>, scalar_prefetch = 0 : i64, scratch_operands = 14 : i64, tpu.core_type = #tpu.core_type<sc_vector_subcore>, window_params = [{transform_indices = #map}, {transform_indices = #map}, {transform_indices = #map}, {transform_indices = #map}, {transform_indices = #map1}]} {
    %mul3A = arith.constant 2 : i32
    %mul3A_0 = arith.muli %arg1, %mul3A : i32
    %add3A = arith.addi %mul3A_0, %arg0 : i32
    %mul3A_1 = arith.constant 100000 : i32
    %mul3A_2 = arith.muli %add3A, %mul3A_1 : i32
    %iota3A = tpu.iota {dimensions = array<i32: 0>} : vector<16xi32>
    %broadcast_in_dim3A = arith.constant 0.000000e+00 : f32
    %broadcast_in_dim3A_3 = vector.broadcast %broadcast_in_dim3A : f32 to vector<16xf32>
    %shift_right_arithmetic3A = arith.constant 3 : i32
    %shift_right_arithmetic3A_4 = vector.broadcast %shift_right_arithmetic3A : i32 to vector<16xi32>
    %shift_right_arithmetic3A_5 = arith.shrsi %iota3A, %shift_right_arithmetic3A_4 : vector<16xi32>
    %and3A = arith.constant 7 : i32
    %and3A_6 = vector.broadcast %and3A : i32 to vector<16xi32>
    %and3A_7 = arith.andi %iota3A, %and3A_6 : vector<16xi32>
    %scan3A = arith.constant 0 : i32
    %scan3A_8 = arith.constant 0 : i32
    %scan3A_9 = arith.constant 1000 : i32
    %scan3A_10 = arith.addi %scan3A_8, %scan3A_9 : i32
    %scan3A_11 = arith.constant 1 : i32
    scf.for %scan3A_49 = %scan3A_8 to %scan3A_10 step %scan3A_11  : i32 {
      %mul3A_50 = arith.constant 2 : i32
      %mul3A_51 = arith.muli %scan3A_49, %mul3A_50 : i32
      %add3A_52 = vector.broadcast %mul3A_51 : i32 to vector<16xi32>
      %add3A_53 = arith.addi %add3A_52, %shift_right_arithmetic3A_5 : vector<16xi32>
      tpu.vector_store_idx %arg15[%add3A_53, %and3A_7], %broadcast_in_dim3A_3 : memref<2000x8xf32, #tpu.memory_space<vmem>>[vector<16xi32>, vector<16xi32>], vector<16xf32>,
      %mul3A_54 = arith.constant 2 : i32
      %mul3A_55 = arith.muli %scan3A_49, %mul3A_54 : i32
      %add3A_56 = vector.broadcast %mul3A_55 : i32 to vector<16xi32>
      %add3A_57 = arith.addi %add3A_56, %shift_right_arithmetic3A_5 : vector<16xi32>
      tpu.vector_store_idx %arg16[%add3A_57, %and3A_7], %broadcast_in_dim3A_3 : memref<2000x8xf32, #tpu.memory_space<vmem>>[vector<16xi32>, vector<16xi32>], vector<16xf32>,
    }
    %scan3A_12 = arith.constant 1000 : i32
    %add3A_13 = arith.constant 0 : i32
    %add3A_14 = arith.addi %mul3A_2, %add3A_13 : i32
    %dma_start3A = tpu.memref_slice %arg2[%add3A_14] : memref<3200000xf32, #tpu.memory_space<hbm>> -> memref<2000xf32, #tpu.memory_space<hbm>>
    %dma_start3A_15 = tpu.memref_slice %arg2[%add3A_14] : memref<3200000xf32, #tpu.memory_space<hbm>> -> memref<2000xf32, #tpu.memory_space<hbm>>
    tpu.enqueue_dma source(%dma_start3A_15 : memref<2000xf32, #tpu.memory_space<hbm>>) target(%arg7 : memref<2000xf32, #tpu.memory_space<vmem>>) target_semaphore(%arg17 : memref<!tpu.dma_semaphore, #tpu.memory_space<semaphore_mem>>)
    %dma_start3A_16 = tpu.memref_slice %arg3[%add3A_14] : memref<3200000xf32, #tpu.memory_space<hbm>> -> memref<2000xf32, #tpu.memory_space<hbm>>
    %dma_start3A_17 = tpu.memref_slice %arg3[%add3A_14] : memref<3200000xf32, #tpu.memory_space<hbm>> -> memref<2000xf32, #tpu.memory_space<hbm>>
    tpu.enqueue_dma source(%dma_start3A_17 : memref<2000xf32, #tpu.memory_space<hbm>>) target(%arg9 : memref<2000xf32, #tpu.memory_space<vmem>>) target_semaphore(%arg17 : memref<!tpu.dma_semaphore, #tpu.memory_space<semaphore_mem>>)
    %dma_start3A_18 = tpu.memref_slice %arg4[%add3A_14] : memref<3200000xf32, #tpu.memory_space<hbm>> -> memref<2000xf32, #tpu.memory_space<hbm>>
    %dma_start3A_19 = tpu.memref_slice %arg4[%add3A_14] : memref<3200000xf32, #tpu.memory_space<hbm>> -> memref<2000xf32, #tpu.memory_space<hbm>>
    tpu.enqueue_dma source(%dma_start3A_19 : memref<2000xf32, #tpu.memory_space<hbm>>) target(%arg11 : memref<2000xf32, #tpu.memory_space<vmem>>) target_semaphore(%arg17 : memref<!tpu.dma_semaphore, #tpu.memory_space<semaphore_mem>>)
    %dma_start3A_20 = tpu.memref_slice %arg5[%add3A_14] : memref<3200000xf32, #tpu.memory_space<hbm>> -> memref<2000xf32, #tpu.memory_space<hbm>>
    %dma_start3A_21 = tpu.memref_slice %arg5[%add3A_14] : memref<3200000xf32, #tpu.memory_space<hbm>> -> memref<2000xf32, #tpu.memory_space<hbm>>
    tpu.enqueue_dma source(%dma_start3A_21 : memref<2000xf32, #tpu.memory_space<hbm>>) target(%arg13 : memref<2000xf32, #tpu.memory_space<vmem>>) target_semaphore(%arg17 : memref<!tpu.dma_semaphore, #tpu.memory_space<semaphore_mem>>)
    %add3A_22 = arith.constant 2000 : i32
    %add3A_23 = arith.addi %mul3A_2, %add3A_22 : i32
    %dma_start3A_24 = tpu.memref_slice %arg2[%add3A_23] : memref<3200000xf32, #tpu.memory_space<hbm>> -> memref<2000xf32, #tpu.memory_space<hbm>>
    %dma_start3A_25 = tpu.memref_slice %arg2[%add3A_23] : memref<3200000xf32, #tpu.memory_space<hbm>> -> memref<2000xf32, #tpu.memory_space<hbm>>
    tpu.enqueue_dma source(%dma_start3A_25 : memref<2000xf32, #tpu.memory_space<hbm>>) target(%arg8 : memref<2000xf32, #tpu.memory_space<vmem>>) target_semaphore(%arg18 : memref<!tpu.dma_semaphore, #tpu.memory_space<semaphore_mem>>)
    %dma_start3A_26 = tpu.memref_slice %arg3[%add3A_23] : memref<3200000xf32, #tpu.memory_space<hbm>> -> memref<2000xf32, #tpu.memory_space<hbm>>
    %dma_start3A_27 = tpu.memref_slice %arg3[%add3A_23] : memref<3200000xf32, #tpu.memory_space<hbm>> -> memref<2000xf32, #tpu.memory_space<hbm>>
    tpu.enqueue_dma source(%dma_start3A_27 : memref<2000xf32, #tpu.memory_space<hbm>>) target(%arg10 : memref<2000xf32, #tpu.memory_space<vmem>>) target_semaphore(%arg18 : memref<!tpu.dma_semaphore, #tpu.memory_space<semaphore_mem>>)
    %dma_start3A_28 = tpu.memref_slice %arg4[%add3A_23] : memref<3200000xf32, #tpu.memory_space<hbm>> -> memref<2000xf32, #tpu.memory_space<hbm>>
    %dma_start3A_29 = tpu.memref_slice %arg4[%add3A_23] : memref<3200000xf32, #tpu.memory_space<hbm>> -> memref<2000xf32, #tpu.memory_space<hbm>>
    tpu.enqueue_dma source(%dma_start3A_29 : memref<2000xf32, #tpu.memory_space<hbm>>) target(%arg12 : memref<2000xf32, #tpu.memory_space<vmem>>) target_semaphore(%arg18 : memref<!tpu.dma_semaphore, #tpu.memory_space<semaphore_mem>>)
    %dma_start3A_30 = tpu.memref_slice %arg5[%add3A_23] : memref<3200000xf32, #tpu.memory_space<hbm>> -> memref<2000xf32, #tpu.memory_space<hbm>>
    %dma_start3A_31 = tpu.memref_slice %arg5[%add3A_23] : memref<3200000xf32, #tpu.memory_space<hbm>> -> memref<2000xf32, #tpu.memory_space<hbm>>
    tpu.enqueue_dma source(%dma_start3A_31 : memref<2000xf32, #tpu.memory_space<hbm>>) target(%arg14 : memref<2000xf32, #tpu.memory_space<vmem>>) target_semaphore(%arg18 : memref<!tpu.dma_semaphore, #tpu.memory_space<semaphore_mem>>)
    %scan3A_32 = arith.constant 0 : i32
    %scan3A_33 = arith.constant 0 : i32
    %scan3A_34 = arith.constant 25 : i32
    %scan3A_35 = arith.addi %scan3A_33, %scan3A_34 : i32
    %scan3A_36 = arith.constant 1 : i32
    scf.for %scan3A_49 = %scan3A_33 to %scan3A_35 step %scan3A_36  : i32 {
      %dma_wait3A_50 = arith.constant 0 : i32
      %dma_wait3A_51 = tpu.memref_slice %arg2[%dma_wait3A_50] : memref<3200000xf32, #tpu.memory_space<hbm>> -> memref<2000xf32, #tpu.memory_space<hbm>>
      %dma_wait3A_52 = arith.constant 0 : i32
      %dma_wait3A_53 = tpu.memref_slice %arg2[%dma_wait3A_52] : memref<3200000xf32, #tpu.memory_space<hbm>> -> memref<2000xf32, #tpu.memory_space<hbm>>
      tpu.wait_dma2 semaphore(%arg17 : memref<!tpu.dma_semaphore, #tpu.memory_space<semaphore_mem>>) src(%dma_wait3A_53 : memref<2000xf32, #tpu.memory_space<hbm>>) dst(%arg7 : memref<2000xf32, #tpu.memory_space<vmem>>)
      %dma_wait3A_54 = arith.constant 0 : i32
      %dma_wait3A_55 = tpu.memref_slice %arg3[%dma_wait3A_54] : memref<3200000xf32, #tpu.memory_space<hbm>> -> memref<2000xf32, #tpu.memory_space<hbm>>
      %dma_wait3A_56 = arith.constant 0 : i32
      %dma_wait3A_57 = tpu.memref_slice %arg3[%dma_wait3A_56] : memref<3200000xf32, #tpu.memory_space<hbm>> -> memref<2000xf32, #tpu.memory_space<hbm>>
      tpu.wait_dma2 semaphore(%arg17 : memref<!tpu.dma_semaphore, #tpu.memory_space<semaphore_mem>>) src(%dma_wait3A_57 : memref<2000xf32, #tpu.memory_space<hbm>>) dst(%arg9 : memref<2000xf32, #tpu.memory_space<vmem>>)
      %dma_wait3A_58 = arith.constant 0 : i32
      %dma_wait3A_59 = tpu.memref_slice %arg4[%dma_wait3A_58] : memref<3200000xf32, #tpu.memory_space<hbm>> -> memref<2000xf32, #tpu.memory_space<hbm>>
      %dma_wait3A_60 = arith.constant 0 : i32
      %dma_wait3A_61 = tpu.memref_slice %arg4[%dma_wait3A_60] : memref<3200000xf32, #tpu.memory_space<hbm>> -> memref<2000xf32, #tpu.memory_space<hbm>>
      tpu.wait_dma2 semaphore(%arg17 : memref<!tpu.dma_semaphore, #tpu.memory_space<semaphore_mem>>) src(%dma_wait3A_61 : memref<2000xf32, #tpu.memory_space<hbm>>) dst(%arg11 : memref<2000xf32, #tpu.memory_space<vmem>>)
      %dma_wait3A_62 = arith.constant 0 : i32
      %dma_wait3A_63 = tpu.memref_slice %arg5[%dma_wait3A_62] : memref<3200000xf32, #tpu.memory_space<hbm>> -> memref<2000xf32, #tpu.memory_space<hbm>>
      %dma_wait3A_64 = arith.constant 0 : i32
      %dma_wait3A_65 = tpu.memref_slice %arg5[%dma_wait3A_64] : memref<3200000xf32, #tpu.memory_space<hbm>> -> memref<2000xf32, #tpu.memory_space<hbm>>
      tpu.wait_dma2 semaphore(%arg17 : memref<!tpu.dma_semaphore, #tpu.memory_space<semaphore_mem>>) src(%dma_wait3A_65 : memref<2000xf32, #tpu.memory_space<hbm>>) dst(%arg13 : memref<2000xf32, #tpu.memory_space<vmem>>)
      %gt3A = arith.constant 0 : i32
      %gt3A_66 = arith.cmpi sgt, %scan3A_49, %gt3A : i32
      %convert_element_type3A = arith.extui %gt3A_66 : i1 to i32
      %cond3A = arith.constant 0 : i32
      %cond3A_67 = arith.cmpi ne, %convert_element_type3A, %cond3A : i32
      scf.if %cond3A_67 {
        %dma_wait3A_134 = arith.constant 0 : i32
        %dma_wait3A_135 = arith.constant 0 : i32
        %dma_wait3A_136 = tpu.memref_slice %arg6[%dma_wait3A_134, %dma_wait3A_135] : memref<3200000x8xf32, #tpu.memory_space<hbm>> -> memref<2000x8xf32, #tpu.memory_space<hbm>>
        %dma_wait3A_137 = arith.constant 0 : i32
        %dma_wait3A_138 = arith.constant 0 : i32
        %dma_wait3A_139 = tpu.memref_slice %arg6[%dma_wait3A_137, %dma_wait3A_138] : memref<3200000x8xf32, #tpu.memory_space<hbm>> -> memref<2000x8xf32, #tpu.memory_space<hbm>>
        tpu.wait_dma2 semaphore(%arg19 : memref<!tpu.dma_semaphore, #tpu.memory_space<semaphore_mem>>) src(%arg15 : memref<2000x8xf32, #tpu.memory_space<vmem>>) dst(%dma_wait3A_139 : memref<2000x8xf32, #tpu.memory_space<hbm>>)
      } else {
      }
      %scan3A_68 = arith.constant 0 : i32
      %scan3A_69 = arith.constant 0 : i32
      %scan3A_70 = arith.constant 125 : i32
      %scan3A_71 = arith.addi %scan3A_69, %scan3A_70 : i32
      %scan3A_72 = arith.constant 1 : i32
      scf.for %scan3A_134 = %scan3A_69 to %scan3A_71 step %scan3A_72  : i32 {
        %mul3A_135 = arith.constant 16 : i32
        %mul3A_136 = arith.muli %scan3A_134, %mul3A_135 : i32
        %get3A = arith.index_cast %mul3A_136 : i32 to index
        %get3A_137 = tpu.vector_load %arg7[%get3A] {strides = array<i32>} : memref<2000xf32, #tpu.memory_space<vmem>>, vector<16xf32>,
        %max3A = arith.constant 9.99999974E-6 : f32
        %max3A_138 = vector.broadcast %max3A : f32 to vector<16xf32>
        %max3A_139 = arith.maximumf %get3A_137, %max3A_138 : vector<16xf32>
        %mul3A_140 = arith.constant 16 : i32
        %mul3A_141 = arith.muli %scan3A_134, %mul3A_140 : i32
        %add3A_142 = vector.broadcast %mul3A_141 : i32 to vector<16xi32>
        %add3A_143 = arith.addi %add3A_142, %iota3A : vector<16xi32>
        %broadcast_in_dim3A_144 = arith.constant 0 : i32
        %broadcast_in_dim3A_145 = vector.broadcast %broadcast_in_dim3A_144 : i32 to vector<16xi32>
        %get3A_146 = arith.index_cast %mul3A_136 : i32 to index
        %get3A_147 = tpu.vector_load %arg9[%get3A_146] {strides = array<i32>} : memref<2000xf32, #tpu.memory_space<vmem>>, vector<16xf32>,
        %div3A = arith.divf %get3A_147, %max3A_139 : vector<16xf32>
        tpu.vector_store_idx %arg15[%add3A_143, %broadcast_in_dim3A_145], %div3A : memref<2000x8xf32, #tpu.memory_space<vmem>>[vector<16xi32>, vector<16xi32>], vector<16xf32>,
        %broadcast_in_dim3A_148 = arith.constant 1 : i32
        %broadcast_in_dim3A_149 = vector.broadcast %broadcast_in_dim3A_148 : i32 to vector<16xi32>
        %get3A_150 = arith.index_cast %mul3A_136 : i32 to index
        %get3A_151 = tpu.vector_load %arg11[%get3A_150] {strides = array<i32>} : memref<2000xf32, #tpu.memory_space<vmem>>, vector<16xf32>,
        %div3A_152 = arith.divf %get3A_151, %max3A_139 : vector<16xf32>
        tpu.vector_store_idx %arg15[%add3A_143, %broadcast_in_dim3A_149], %div3A_152 : memref<2000x8xf32, #tpu.memory_space<vmem>>[vector<16xi32>, vector<16xi32>], vector<16xf32>,
        %broadcast_in_dim3A_153 = arith.constant 2 : i32
        %broadcast_in_dim3A_154 = vector.broadcast %broadcast_in_dim3A_153 : i32 to vector<16xi32>
        %get3A_155 = arith.index_cast %mul3A_136 : i32 to index
        %get3A_156 = tpu.vector_load %arg13[%get3A_155] {strides = array<i32>} : memref<2000xf32, #tpu.memory_space<vmem>>, vector<16xf32>,
        %div3A_157 = arith.divf %get3A_156, %max3A_139 : vector<16xf32>
        tpu.vector_store_idx %arg15[%add3A_143, %broadcast_in_dim3A_154], %div3A_157 : memref<2000x8xf32, #tpu.memory_space<vmem>>[vector<16xi32>, vector<16xi32>], vector<16xf32>,
      }
      %scan3A_73 = arith.constant 125 : i32
      %mul3A_74 = arith.constant 2 : i32
      %mul3A_75 = arith.muli %mul3A_74, %scan3A_49 : i32
      %mul3A_76 = arith.constant 2000 : i32
      %mul3A_77 = arith.muli %mul3A_75, %mul3A_76 : i32
      %add3A_78 = arith.addi %mul3A_2, %mul3A_77 : i32
      %dma_start3A_79 = arith.constant 0 : i32
      %dma_start3A_80 = tpu.memref_slice %arg6[%add3A_78, %dma_start3A_79] : memref<3200000x8xf32, #tpu.memory_space<hbm>> -> memref<2000x8xf32, #tpu.memory_space<hbm>>
      %dma_start3A_81 = arith.constant 0 : i32
      %dma_start3A_82 = tpu.memref_slice %arg6[%add3A_78, %dma_start3A_81] : memref<3200000x8xf32, #tpu.memory_space<hbm>> -> memref<2000x8xf32, #tpu.memory_space<hbm>>
      tpu.enqueue_dma source(%arg15 : memref<2000x8xf32, #tpu.memory_space<vmem>>) target(%dma_start3A_82 : memref<2000x8xf32, #tpu.memory_space<hbm>>) target_semaphore(%arg19 : memref<!tpu.dma_semaphore, #tpu.memory_space<semaphore_mem>>)
      %add3A_83 = arith.constant 1 : i32
      %add3A_84 = arith.addi %scan3A_49, %add3A_83 : i32
      %lt3A = arith.constant 25 : i32
      %lt3A_85 = arith.cmpi slt, %add3A_84, %lt3A : i32
      %convert_element_type3A_86 = arith.extui %lt3A_85 : i1 to i32
      %cond3A_87 = arith.constant 0 : i32
      %cond3A_88 = arith.cmpi ne, %convert_element_type3A_86, %cond3A_87 : i32
      scf.if %cond3A_88 {
        %mul3A_134 = arith.constant 2 : i32
        %mul3A_135 = arith.muli %mul3A_134, %scan3A_49 : i32
        %add3A_136 = arith.constant 2 : i32
        %add3A_137 = arith.addi %mul3A_135, %add3A_136 : i32
        %mul3A_138 = arith.constant 2000 : i32
        %mul3A_139 = arith.muli %add3A_137, %mul3A_138 : i32
        %add3A_140 = arith.addi %mul3A_2, %mul3A_139 : i32
        %dma_start3A_141 = tpu.memref_slice %arg2[%add3A_140] : memref<3200000xf32, #tpu.memory_space<hbm>> -> memref<2000xf32, #tpu.memory_space<hbm>>
        %dma_start3A_142 = tpu.memref_slice %arg2[%add3A_140] : memref<3200000xf32, #tpu.memory_space<hbm>> -> memref<2000xf32, #tpu.memory_space<hbm>>
        tpu.enqueue_dma source(%dma_start3A_142 : memref<2000xf32, #tpu.memory_space<hbm>>) target(%arg7 : memref<2000xf32, #tpu.memory_space<vmem>>) target_semaphore(%arg17 : memref<!tpu.dma_semaphore, #tpu.memory_space<semaphore_mem>>)
        %dma_start3A_143 = tpu.memref_slice %arg3[%add3A_140] : memref<3200000xf32, #tpu.memory_space<hbm>> -> memref<2000xf32, #tpu.memory_space<hbm>>
        %dma_start3A_144 = tpu.memref_slice %arg3[%add3A_140] : memref<3200000xf32, #tpu.memory_space<hbm>> -> memref<2000xf32, #tpu.memory_space<hbm>>
        tpu.enqueue_dma source(%dma_start3A_144 : memref<2000xf32, #tpu.memory_space<hbm>>) target(%arg9 : memref<2000xf32, #tpu.memory_space<vmem>>) target_semaphore(%arg17 : memref<!tpu.dma_semaphore, #tpu.memory_space<semaphore_mem>>)
        %dma_start3A_145 = tpu.memref_slice %arg4[%add3A_140] : memref<3200000xf32, #tpu.memory_space<hbm>> -> memref<2000xf32, #tpu.memory_space<hbm>>
        %dma_start3A_146 = tpu.memref_slice %arg4[%add3A_140] : memref<3200000xf32, #tpu.memory_space<hbm>> -> memref<2000xf32, #tpu.memory_space<hbm>>
        tpu.enqueue_dma source(%dma_start3A_146 : memref<2000xf32, #tpu.memory_space<hbm>>) target(%arg11 : memref<2000xf32, #tpu.memory_space<vmem>>) target_semaphore(%arg17 : memref<!tpu.dma_semaphore, #tpu.memory_space<semaphore_mem>>)
        %dma_start3A_147 = tpu.memref_slice %arg5[%add3A_140] : memref<3200000xf32, #tpu.memory_space<hbm>> -> memref<2000xf32, #tpu.memory_space<hbm>>
        %dma_start3A_148 = tpu.memref_slice %arg5[%add3A_140] : memref<3200000xf32, #tpu.memory_space<hbm>> -> memref<2000xf32, #tpu.memory_space<hbm>>
        tpu.enqueue_dma source(%dma_start3A_148 : memref<2000xf32, #tpu.memory_space<hbm>>) target(%arg13 : memref<2000xf32, #tpu.memory_space<vmem>>) target_semaphore(%arg17 : memref<!tpu.dma_semaphore, #tpu.memory_space<semaphore_mem>>)
      } else {
      }
      %dma_wait3A_89 = arith.constant 0 : i32
      %dma_wait3A_90 = tpu.memref_slice %arg2[%dma_wait3A_89] : memref<3200000xf32, #tpu.memory_space<hbm>> -> memref<2000xf32, #tpu.memory_space<hbm>>
      %dma_wait3A_91 = arith.constant 0 : i32
      %dma_wait3A_92 = tpu.memref_slice %arg2[%dma_wait3A_91] : memref<3200000xf32, #tpu.memory_space<hbm>> -> memref<2000xf32, #tpu.memory_space<hbm>>
      tpu.wait_dma2 semaphore(%arg18 : memref<!tpu.dma_semaphore, #tpu.memory_space<semaphore_mem>>) src(%dma_wait3A_92 : memref<2000xf32, #tpu.memory_space<hbm>>) dst(%arg8 : memref<2000xf32, #tpu.memory_space<vmem>>)
      %dma_wait3A_93 = arith.constant 0 : i32
      %dma_wait3A_94 = tpu.memref_slice %arg3[%dma_wait3A_93] : memref<3200000xf32, #tpu.memory_space<hbm>> -> memref<2000xf32, #tpu.memory_space<hbm>>
      %dma_wait3A_95 = arith.constant 0 : i32
      %dma_wait3A_96 = tpu.memref_slice %arg3[%dma_wait3A_95] : memref<3200000xf32, #tpu.memory_space<hbm>> -> memref<2000xf32, #tpu.memory_space<hbm>>
      tpu.wait_dma2 semaphore(%arg18 : memref<!tpu.dma_semaphore, #tpu.memory_space<semaphore_mem>>) src(%dma_wait3A_96 : memref<2000xf32, #tpu.memory_space<hbm>>) dst(%arg10 : memref<2000xf32, #tpu.memory_space<vmem>>)
      %dma_wait3A_97 = arith.constant 0 : i32
      %dma_wait3A_98 = tpu.memref_slice %arg4[%dma_wait3A_97] : memref<3200000xf32, #tpu.memory_space<hbm>> -> memref<2000xf32, #tpu.memory_space<hbm>>
      %dma_wait3A_99 = arith.constant 0 : i32
      %dma_wait3A_100 = tpu.memref_slice %arg4[%dma_wait3A_99] : memref<3200000xf32, #tpu.memory_space<hbm>> -> memref<2000xf32, #tpu.memory_space<hbm>>
      tpu.wait_dma2 semaphore(%arg18 : memref<!tpu.dma_semaphore, #tpu.memory_space<semaphore_mem>>) src(%dma_wait3A_100 : memref<2000xf32, #tpu.memory_space<hbm>>) dst(%arg12 : memref<2000xf32, #tpu.memory_space<vmem>>)
      %dma_wait3A_101 = arith.constant 0 : i32
      %dma_wait3A_102 = tpu.memref_slice %arg5[%dma_wait3A_101] : memref<3200000xf32, #tpu.memory_space<hbm>> -> memref<2000xf32, #tpu.memory_space<hbm>>
      %dma_wait3A_103 = arith.constant 0 : i32
      %dma_wait3A_104 = tpu.memref_slice %arg5[%dma_wait3A_103] : memref<3200000xf32, #tpu.memory_space<hbm>> -> memref<2000xf32, #tpu.memory_space<hbm>>
      tpu.wait_dma2 semaphore(%arg18 : memref<!tpu.dma_semaphore, #tpu.memory_space<semaphore_mem>>) src(%dma_wait3A_104 : memref<2000xf32, #tpu.memory_space<hbm>>) dst(%arg14 : memref<2000xf32, #tpu.memory_space<vmem>>)
      %gt3A_105 = arith.constant 0 : i32
      %gt3A_106 = arith.cmpi sgt, %scan3A_49, %gt3A_105 : i32
      %convert_element_type3A_107 = arith.extui %gt3A_106 : i1 to i32
      %cond3A_108 = arith.constant 0 : i32
      %cond3A_109 = arith.cmpi ne, %convert_element_type3A_107, %cond3A_108 : i32
      scf.if %cond3A_109 {
        %dma_wait3A_134 = arith.constant 0 : i32
        %dma_wait3A_135 = arith.constant 0 : i32
        %dma_wait3A_136 = tpu.memref_slice %arg6[%dma_wait3A_134, %dma_wait3A_135] : memref<3200000x8xf32, #tpu.memory_space<hbm>> -> memref<2000x8xf32, #tpu.memory_space<hbm>>
        %dma_wait3A_137 = arith.constant 0 : i32
        %dma_wait3A_138 = arith.constant 0 : i32
        %dma_wait3A_139 = tpu.memref_slice %arg6[%dma_wait3A_137, %dma_wait3A_138] : memref<3200000x8xf32, #tpu.memory_space<hbm>> -> memref<2000x8xf32, #tpu.memory_space<hbm>>
        tpu.wait_dma2 semaphore(%arg20 : memref<!tpu.dma_semaphore, #tpu.memory_space<semaphore_mem>>) src(%arg16 : memref<2000x8xf32, #tpu.memory_space<vmem>>) dst(%dma_wait3A_139 : memref<2000x8xf32, #tpu.memory_space<hbm>>)
      } else {
      }
      %scan3A_110 = arith.constant 0 : i32
      %scan3A_111 = arith.constant 0 : i32
      %scan3A_112 = arith.constant 125 : i32
      %scan3A_113 = arith.addi %scan3A_111, %scan3A_112 : i32
      %scan3A_114 = arith.constant 1 : i32
      scf.for %scan3A_134 = %scan3A_111 to %scan3A_113 step %scan3A_114  : i32 {
        %mul3A_135 = arith.constant 16 : i32
        %mul3A_136 = arith.muli %scan3A_134, %mul3A_135 : i32
        %get3A = arith.index_cast %mul3A_136 : i32 to index
        %get3A_137 = tpu.vector_load %arg8[%get3A] {strides = array<i32>} : memref<2000xf32, #tpu.memory_space<vmem>>, vector<16xf32>,
        %max3A = arith.constant 9.99999974E-6 : f32
        %max3A_138 = vector.broadcast %max3A : f32 to vector<16xf32>
        %max3A_139 = arith.maximumf %get3A_137, %max3A_138 : vector<16xf32>
        %mul3A_140 = arith.constant 16 : i32
        %mul3A_141 = arith.muli %scan3A_134, %mul3A_140 : i32
        %add3A_142 = vector.broadcast %mul3A_141 : i32 to vector<16xi32>
        %add3A_143 = arith.addi %add3A_142, %iota3A : vector<16xi32>
        %broadcast_in_dim3A_144 = arith.constant 0 : i32
        %broadcast_in_dim3A_145 = vector.broadcast %broadcast_in_dim3A_144 : i32 to vector<16xi32>
        %get3A_146 = arith.index_cast %mul3A_136 : i32 to index
        %get3A_147 = tpu.vector_load %arg10[%get3A_146] {strides = array<i32>} : memref<2000xf32, #tpu.memory_space<vmem>>, vector<16xf32>,
        %div3A = arith.divf %get3A_147, %max3A_139 : vector<16xf32>
        tpu.vector_store_idx %arg16[%add3A_143, %broadcast_in_dim3A_145], %div3A : memref<2000x8xf32, #tpu.memory_space<vmem>>[vector<16xi32>, vector<16xi32>], vector<16xf32>,
        %broadcast_in_dim3A_148 = arith.constant 1 : i32
        %broadcast_in_dim3A_149 = vector.broadcast %broadcast_in_dim3A_148 : i32 to vector<16xi32>
        %get3A_150 = arith.index_cast %mul3A_136 : i32 to index
        %get3A_151 = tpu.vector_load %arg12[%get3A_150] {strides = array<i32>} : memref<2000xf32, #tpu.memory_space<vmem>>, vector<16xf32>,
        %div3A_152 = arith.divf %get3A_151, %max3A_139 : vector<16xf32>
        tpu.vector_store_idx %arg16[%add3A_143, %broadcast_in_dim3A_149], %div3A_152 : memref<2000x8xf32, #tpu.memory_space<vmem>>[vector<16xi32>, vector<16xi32>], vector<16xf32>,
        %broadcast_in_dim3A_153 = arith.constant 2 : i32
        %broadcast_in_dim3A_154 = vector.broadcast %broadcast_in_dim3A_153 : i32 to vector<16xi32>
        %get3A_155 = arith.index_cast %mul3A_136 : i32 to index
        %get3A_156 = tpu.vector_load %arg14[%get3A_155] {strides = array<i32>} : memref<2000xf32, #tpu.memory_space<vmem>>, vector<16xf32>,
        %div3A_157 = arith.divf %get3A_156, %max3A_139 : vector<16xf32>
        tpu.vector_store_idx %arg16[%add3A_143, %broadcast_in_dim3A_154], %div3A_157 : memref<2000x8xf32, #tpu.memory_space<vmem>>[vector<16xi32>, vector<16xi32>], vector<16xf32>,
      }
      %scan3A_115 = arith.constant 125 : i32
      %mul3A_116 = arith.constant 2 : i32
      %mul3A_117 = arith.muli %mul3A_116, %scan3A_49 : i32
      %add3A_118 = arith.constant 1 : i32
      %add3A_119 = arith.addi %mul3A_117, %add3A_118 : i32
      %mul3A_120 = arith.constant 2000 : i32
      %mul3A_121 = arith.muli %add3A_119, %mul3A_120 : i32
      %add3A_122 = arith.addi %mul3A_2, %mul3A_121 : i32
      %dma_start3A_123 = arith.constant 0 : i32
      %dma_start3A_124 = tpu.memref_slice %arg6[%add3A_122, %dma_start3A_123] : memref<3200000x8xf32, #tpu.memory_space<hbm>> -> memref<2000x8xf32, #tpu.memory_space<hbm>>
      %dma_start3A_125 = arith.constant 0 : i32
      %dma_start3A_126 = tpu.memref_slice %arg6[%add3A_122, %dma_start3A_125] : memref<3200000x8xf32, #tpu.memory_space<hbm>> -> memref<2000x8xf32, #tpu.memory_space<hbm>>
      tpu.enqueue_dma source(%arg16 : memref<2000x8xf32, #tpu.memory_space<vmem>>) target(%dma_start3A_126 : memref<2000x8xf32, #tpu.memory_space<hbm>>) target_semaphore(%arg20 : memref<!tpu.dma_semaphore, #tpu.memory_space<semaphore_mem>>)
      %add3A_127 = arith.constant 1 : i32
      %add3A_128 = arith.addi %scan3A_49, %add3A_127 : i32
      %lt3A_129 = arith.constant 25 : i32
      %lt3A_130 = arith.cmpi slt, %add3A_128, %lt3A_129 : i32
      %convert_element_type3A_131 = arith.extui %lt3A_130 : i1 to i32
      %cond3A_132 = arith.constant 0 : i32
      %cond3A_133 = arith.cmpi ne, %convert_element_type3A_131, %cond3A_132 : i32
      scf.if %cond3A_133 {
        %mul3A_134 = arith.constant 2 : i32
        %mul3A_135 = arith.muli %mul3A_134, %scan3A_49 : i32
        %add3A_136 = arith.constant 3 : i32
        %add3A_137 = arith.addi %mul3A_135, %add3A_136 : i32
        %mul3A_138 = arith.constant 2000 : i32
        %mul3A_139 = arith.muli %add3A_137, %mul3A_138 : i32
        %add3A_140 = arith.addi %mul3A_2, %mul3A_139 : i32
        %dma_start3A_141 = tpu.memref_slice %arg2[%add3A_140] : memref<3200000xf32, #tpu.memory_space<hbm>> -> memref<2000xf32, #tpu.memory_space<hbm>>
        %dma_start3A_142 = tpu.memref_slice %arg2[%add3A_140] : memref<3200000xf32, #tpu.memory_space<hbm>> -> memref<2000xf32, #tpu.memory_space<hbm>>
        tpu.enqueue_dma source(%dma_start3A_142 : memref<2000xf32, #tpu.memory_space<hbm>>) target(%arg8 : memref<2000xf32, #tpu.memory_space<vmem>>) target_semaphore(%arg18 : memref<!tpu.dma_semaphore, #tpu.memory_space<semaphore_mem>>)
        %dma_start3A_143 = tpu.memref_slice %arg3[%add3A_140] : memref<3200000xf32, #tpu.memory_space<hbm>> -> memref<2000xf32, #tpu.memory_space<hbm>>
        %dma_start3A_144 = tpu.memref_slice %arg3[%add3A_140] : memref<3200000xf32, #tpu.memory_space<hbm>> -> memref<2000xf32, #tpu.memory_space<hbm>>
        tpu.enqueue_dma source(%dma_start3A_144 : memref<2000xf32, #tpu.memory_space<hbm>>) target(%arg10 : memref<2000xf32, #tpu.memory_space<vmem>>) target_semaphore(%arg18 : memref<!tpu.dma_semaphore, #tpu.memory_space<semaphore_mem>>)
        %dma_start3A_145 = tpu.memref_slice %arg4[%add3A_140] : memref<3200000xf32, #tpu.memory_space<hbm>> -> memref<2000xf32, #tpu.memory_space<hbm>>
        %dma_start3A_146 = tpu.memref_slice %arg4[%add3A_140] : memref<3200000xf32, #tpu.memory_space<hbm>> -> memref<2000xf32, #tpu.memory_space<hbm>>
        tpu.enqueue_dma source(%dma_start3A_146 : memref<2000xf32, #tpu.memory_space<hbm>>) target(%arg12 : memref<2000xf32, #tpu.memory_space<vmem>>) target_semaphore(%arg18 : memref<!tpu.dma_semaphore, #tpu.memory_space<semaphore_mem>>)
        %dma_start3A_147 = tpu.memref_slice %arg5[%add3A_140] : memref<3200000xf32, #tpu.memory_space<hbm>> -> memref<2000xf32, #tpu.memory_space<hbm>>
        %dma_start3A_148 = tpu.memref_slice %arg5[%add3A_140] : memref<3200000xf32, #tpu.memory_space<hbm>> -> memref<2000xf32, #tpu.memory_space<hbm>>
        tpu.enqueue_dma source(%dma_start3A_148 : memref<2000xf32, #tpu.memory_space<hbm>>) target(%arg14 : memref<2000xf32, #tpu.memory_space<vmem>>) target_semaphore(%arg18 : memref<!tpu.dma_semaphore, #tpu.memory_space<semaphore_mem>>)
      } else {
      }
    }
    %scan3A_37 = arith.constant 25 : i32
    %dma_wait3A = arith.constant 0 : i32
    %dma_wait3A_38 = arith.constant 0 : i32
    %dma_wait3A_39 = tpu.memref_slice %arg6[%dma_wait3A, %dma_wait3A_38] : memref<3200000x8xf32, #tpu.memory_space<hbm>> -> memref<2000x8xf32, #tpu.memory_space<hbm>>
    %dma_wait3A_40 = arith.constant 0 : i32
    %dma_wait3A_41 = arith.constant 0 : i32
    %dma_wait3A_42 = tpu.memref_slice %arg6[%dma_wait3A_40, %dma_wait3A_41] : memref<3200000x8xf32, #tpu.memory_space<hbm>> -> memref<2000x8xf32, #tpu.memory_space<hbm>>
    tpu.wait_dma2 semaphore(%arg19 : memref<!tpu.dma_semaphore, #tpu.memory_space<semaphore_mem>>) src(%arg15 : memref<2000x8xf32, #tpu.memory_space<vmem>>) dst(%dma_wait3A_42 : memref<2000x8xf32, #tpu.memory_space<hbm>>)
    %dma_wait3A_43 = arith.constant 0 : i32
    %dma_wait3A_44 = arith.constant 0 : i32
    %dma_wait3A_45 = tpu.memref_slice %arg6[%dma_wait3A_43, %dma_wait3A_44] : memref<3200000x8xf32, #tpu.memory_space<hbm>> -> memref<2000x8xf32, #tpu.memory_space<hbm>>
    %dma_wait3A_46 = arith.constant 0 : i32
    %dma_wait3A_47 = arith.constant 0 : i32
    %dma_wait3A_48 = tpu.memref_slice %arg6[%dma_wait3A_46, %dma_wait3A_47] : memref<3200000x8xf32, #tpu.memory_space<hbm>> -> memref<2000x8xf32, #tpu.memory_space<hbm>>
    tpu.wait_dma2 semaphore(%arg20 : memref<!tpu.dma_semaphore, #tpu.memory_space<semaphore_mem>>) src(%arg16 : memref<2000x8xf32, #tpu.memory_space<vmem>>) dst(%dma_wait3A_48 : memref<2000x8xf32, #tpu.memory_space<hbm>>)
    return
  }
}

#map = affine_map<(d0, d1) -> (0, 0)>
#map1 = affine_map<(d0, d1) -> (0)>
module attributes {stable_mosaic.version = 14 : i64} {
  func.func @_sc_body(%arg0: i32, %arg1: i32, %arg2: memref<3200000x8xf32, #tpu.memory_space<hbm>>, %arg3: memref<12800000xi32, #tpu.memory_space<hbm>>, %arg4: memref<12800000xi32, #tpu.memory_space<hbm>>, %arg5: memref<12800000xf32, #tpu.memory_space<hbm>>, %arg6: memref<2000xi32, #tpu.memory_space<vmem>>, %arg7: memref<2000xi32, #tpu.memory_space<vmem>>, %arg8: memref<2000xi32, #tpu.memory_space<vmem>>, %arg9: memref<2000xi32, #tpu.memory_space<vmem>>, %arg10: memref<2000x8xf32, #tpu.memory_space<vmem>>, %arg11: memref<2000x8xf32, #tpu.memory_space<vmem>>, %arg12: memref<2000x8xf32, #tpu.memory_space<vmem>>, %arg13: memref<2000x8xf32, #tpu.memory_space<vmem>>, %arg14: memref<2000xf32, #tpu.memory_space<vmem>>, %arg15: memref<2000xf32, #tpu.memory_space<vmem>>, %arg16: memref<!tpu.dma_semaphore, #tpu.memory_space<semaphore_mem>>, %arg17: memref<!tpu.dma_semaphore, #tpu.memory_space<semaphore_mem>>, %arg18: memref<!tpu.dma_semaphore, #tpu.memory_space<semaphore_mem>>, %arg19: memref<!tpu.dma_semaphore, #tpu.memory_space<semaphore_mem>>, %arg20: memref<!tpu.dma_semaphore, #tpu.memory_space<semaphore_mem>>, %arg21: memref<!tpu.dma_semaphore, #tpu.memory_space<semaphore_mem>>) attributes {dimension_semantics = [#tpu.dimension_semantics<core_parallel>, #tpu.dimension_semantics<subcore_parallel>], iteration_bounds = array<i64: 2, 16>, scalar_prefetch = 0 : i64, scratch_operands = 16 : i64, tpu.core_type = #tpu.core_type<sc_vector_subcore>, window_params = [{transform_indices = #map}, {transform_indices = #map1}, {transform_indices = #map1}, {transform_indices = #map1}]} {
    %mul3A = arith.constant 2 : i32
    %mul3A_0 = arith.muli %arg1, %mul3A : i32
    %add3A = arith.addi %mul3A_0, %arg0 : i32
    %mul3A_1 = arith.constant 400000 : i32
    %mul3A_2 = arith.muli %add3A, %mul3A_1 : i32
    %iota3A = tpu.iota {dimensions = array<i32: 0>} : vector<16xi32>
    %broadcast_in_dim3A = arith.constant 0 : i32
    %broadcast_in_dim3A_3 = vector.broadcast %broadcast_in_dim3A : i32 to vector<16xi32>
    %broadcast_in_dim3A_4 = arith.constant 1 : i32
    %broadcast_in_dim3A_5 = vector.broadcast %broadcast_in_dim3A_4 : i32 to vector<16xi32>
    %broadcast_in_dim3A_6 = arith.constant 2 : i32
    %broadcast_in_dim3A_7 = vector.broadcast %broadcast_in_dim3A_6 : i32 to vector<16xi32>
    %add3A_8 = arith.constant 0 : i32
    %add3A_9 = arith.addi %mul3A_2, %add3A_8 : i32
    %dma_start3A = tpu.memref_slice %arg3[%add3A_9] : memref<12800000xi32, #tpu.memory_space<hbm>> -> memref<2000xi32, #tpu.memory_space<hbm>>
    %dma_start3A_10 = tpu.memref_slice %arg3[%add3A_9] : memref<12800000xi32, #tpu.memory_space<hbm>> -> memref<2000xi32, #tpu.memory_space<hbm>>
    tpu.enqueue_dma source(%dma_start3A_10 : memref<2000xi32, #tpu.memory_space<hbm>>) target(%arg6 : memref<2000xi32, #tpu.memory_space<vmem>>) target_semaphore(%arg16 : memref<!tpu.dma_semaphore, #tpu.memory_space<semaphore_mem>>)
    %dma_start3A_11 = tpu.memref_slice %arg4[%add3A_9] : memref<12800000xi32, #tpu.memory_space<hbm>> -> memref<2000xi32, #tpu.memory_space<hbm>>
    %dma_start3A_12 = tpu.memref_slice %arg4[%add3A_9] : memref<12800000xi32, #tpu.memory_space<hbm>> -> memref<2000xi32, #tpu.memory_space<hbm>>
    tpu.enqueue_dma source(%dma_start3A_12 : memref<2000xi32, #tpu.memory_space<hbm>>) target(%arg8 : memref<2000xi32, #tpu.memory_space<vmem>>) target_semaphore(%arg16 : memref<!tpu.dma_semaphore, #tpu.memory_space<semaphore_mem>>)
    %dma_wait3A = arith.constant 0 : i32
    %dma_wait3A_13 = tpu.memref_slice %arg3[%dma_wait3A] : memref<12800000xi32, #tpu.memory_space<hbm>> -> memref<2000xi32, #tpu.memory_space<hbm>>
    %dma_wait3A_14 = arith.constant 0 : i32
    %dma_wait3A_15 = tpu.memref_slice %arg3[%dma_wait3A_14] : memref<12800000xi32, #tpu.memory_space<hbm>> -> memref<2000xi32, #tpu.memory_space<hbm>>
    tpu.wait_dma2 semaphore(%arg16 : memref<!tpu.dma_semaphore, #tpu.memory_space<semaphore_mem>>) src(%dma_wait3A_15 : memref<2000xi32, #tpu.memory_space<hbm>>) dst(%arg6 : memref<2000xi32, #tpu.memory_space<vmem>>)
    %dma_wait3A_16 = arith.constant 0 : i32
    %dma_wait3A_17 = tpu.memref_slice %arg4[%dma_wait3A_16] : memref<12800000xi32, #tpu.memory_space<hbm>> -> memref<2000xi32, #tpu.memory_space<hbm>>
    %dma_wait3A_18 = arith.constant 0 : i32
    %dma_wait3A_19 = tpu.memref_slice %arg4[%dma_wait3A_18] : memref<12800000xi32, #tpu.memory_space<hbm>> -> memref<2000xi32, #tpu.memory_space<hbm>>
    tpu.wait_dma2 semaphore(%arg16 : memref<!tpu.dma_semaphore, #tpu.memory_space<semaphore_mem>>) src(%dma_wait3A_19 : memref<2000xi32, #tpu.memory_space<hbm>>) dst(%arg8 : memref<2000xi32, #tpu.memory_space<vmem>>)
    %dma_start3A_20 = arith.constant 0 : i32
    %dma_start3A_21 = arith.constant 0 : i32
    %dma_start3A_22 = tpu.memref_slice %arg2[%dma_start3A_20, %dma_start3A_21] : memref<3200000x8xf32, #tpu.memory_space<hbm>> -> memref<3200000x8xf32, #tpu.memory_space<hbm>>
    tpu.enqueue_indirect_dma source(%dma_start3A_22 : memref<3200000x8xf32, #tpu.memory_space<hbm>>) target(%arg10 : memref<2000x8xf32, #tpu.memory_space<vmem>>) offsets(%arg6 : memref<2000xi32, #tpu.memory_space<vmem>>) semaphore(%arg18 : memref<!tpu.dma_semaphore, #tpu.memory_space<semaphore_mem>>)
    %dma_start3A_23 = arith.constant 0 : i32
    %dma_start3A_24 = arith.constant 0 : i32
    %dma_start3A_25 = tpu.memref_slice %arg2[%dma_start3A_23, %dma_start3A_24] : memref<3200000x8xf32, #tpu.memory_space<hbm>> -> memref<3200000x8xf32, #tpu.memory_space<hbm>>
    tpu.enqueue_indirect_dma source(%dma_start3A_25 : memref<3200000x8xf32, #tpu.memory_space<hbm>>) target(%arg12 : memref<2000x8xf32, #tpu.memory_space<vmem>>) offsets(%arg8 : memref<2000xi32, #tpu.memory_space<vmem>>) semaphore(%arg18 : memref<!tpu.dma_semaphore, #tpu.memory_space<semaphore_mem>>)
    %add3A_26 = arith.constant 2000 : i32
    %add3A_27 = arith.addi %mul3A_2, %add3A_26 : i32
    %dma_start3A_28 = tpu.memref_slice %arg3[%add3A_27] : memref<12800000xi32, #tpu.memory_space<hbm>> -> memref<2000xi32, #tpu.memory_space<hbm>>
    %dma_start3A_29 = tpu.memref_slice %arg3[%add3A_27] : memref<12800000xi32, #tpu.memory_space<hbm>> -> memref<2000xi32, #tpu.memory_space<hbm>>
    tpu.enqueue_dma source(%dma_start3A_29 : memref<2000xi32, #tpu.memory_space<hbm>>) target(%arg7 : memref<2000xi32, #tpu.memory_space<vmem>>) target_semaphore(%arg17 : memref<!tpu.dma_semaphore, #tpu.memory_space<semaphore_mem>>)
    %dma_start3A_30 = tpu.memref_slice %arg4[%add3A_27] : memref<12800000xi32, #tpu.memory_space<hbm>> -> memref<2000xi32, #tpu.memory_space<hbm>>
    %dma_start3A_31 = tpu.memref_slice %arg4[%add3A_27] : memref<12800000xi32, #tpu.memory_space<hbm>> -> memref<2000xi32, #tpu.memory_space<hbm>>
    tpu.enqueue_dma source(%dma_start3A_31 : memref<2000xi32, #tpu.memory_space<hbm>>) target(%arg9 : memref<2000xi32, #tpu.memory_space<vmem>>) target_semaphore(%arg17 : memref<!tpu.dma_semaphore, #tpu.memory_space<semaphore_mem>>)
    %scan3A = arith.constant 0 : i32
    %scan3A_32 = arith.constant 0 : i32
    %scan3A_33 = arith.constant 100 : i32
    %scan3A_34 = arith.addi %scan3A_32, %scan3A_33 : i32
    %scan3A_35 = arith.constant 1 : i32
    scf.for %scan3A_45 = %scan3A_32 to %scan3A_34 step %scan3A_35  : i32 {
      %dma_wait3A_46 = arith.constant 0 : i32
      %dma_wait3A_47 = tpu.memref_slice %arg3[%dma_wait3A_46] : memref<12800000xi32, #tpu.memory_space<hbm>> -> memref<2000xi32, #tpu.memory_space<hbm>>
      %dma_wait3A_48 = arith.constant 0 : i32
      %dma_wait3A_49 = tpu.memref_slice %arg3[%dma_wait3A_48] : memref<12800000xi32, #tpu.memory_space<hbm>> -> memref<2000xi32, #tpu.memory_space<hbm>>
      tpu.wait_dma2 semaphore(%arg17 : memref<!tpu.dma_semaphore, #tpu.memory_space<semaphore_mem>>) src(%dma_wait3A_49 : memref<2000xi32, #tpu.memory_space<hbm>>) dst(%arg7 : memref<2000xi32, #tpu.memory_space<vmem>>)
      %dma_wait3A_50 = arith.constant 0 : i32
      %dma_wait3A_51 = tpu.memref_slice %arg4[%dma_wait3A_50] : memref<12800000xi32, #tpu.memory_space<hbm>> -> memref<2000xi32, #tpu.memory_space<hbm>>
      %dma_wait3A_52 = arith.constant 0 : i32
      %dma_wait3A_53 = tpu.memref_slice %arg4[%dma_wait3A_52] : memref<12800000xi32, #tpu.memory_space<hbm>> -> memref<2000xi32, #tpu.memory_space<hbm>>
      tpu.wait_dma2 semaphore(%arg17 : memref<!tpu.dma_semaphore, #tpu.memory_space<semaphore_mem>>) src(%dma_wait3A_53 : memref<2000xi32, #tpu.memory_space<hbm>>) dst(%arg9 : memref<2000xi32, #tpu.memory_space<vmem>>)
      %dma_start3A_54 = arith.constant 0 : i32
      %dma_start3A_55 = arith.constant 0 : i32
      %dma_start3A_56 = tpu.memref_slice %arg2[%dma_start3A_54, %dma_start3A_55] : memref<3200000x8xf32, #tpu.memory_space<hbm>> -> memref<3200000x8xf32, #tpu.memory_space<hbm>>
      tpu.enqueue_indirect_dma source(%dma_start3A_56 : memref<3200000x8xf32, #tpu.memory_space<hbm>>) target(%arg11 : memref<2000x8xf32, #tpu.memory_space<vmem>>) offsets(%arg7 : memref<2000xi32, #tpu.memory_space<vmem>>) semaphore(%arg19 : memref<!tpu.dma_semaphore, #tpu.memory_space<semaphore_mem>>)
      %dma_start3A_57 = arith.constant 0 : i32
      %dma_start3A_58 = arith.constant 0 : i32
      %dma_start3A_59 = tpu.memref_slice %arg2[%dma_start3A_57, %dma_start3A_58] : memref<3200000x8xf32, #tpu.memory_space<hbm>> -> memref<3200000x8xf32, #tpu.memory_space<hbm>>
      tpu.enqueue_indirect_dma source(%dma_start3A_59 : memref<3200000x8xf32, #tpu.memory_space<hbm>>) target(%arg13 : memref<2000x8xf32, #tpu.memory_space<vmem>>) offsets(%arg9 : memref<2000xi32, #tpu.memory_space<vmem>>) semaphore(%arg19 : memref<!tpu.dma_semaphore, #tpu.memory_space<semaphore_mem>>)
      %dma_wait3A_60 = arith.constant 0 : i32
      %dma_wait3A_61 = arith.constant 0 : i32
      %dma_wait3A_62 = tpu.memref_slice %arg2[%dma_wait3A_60, %dma_wait3A_61] : memref<3200000x8xf32, #tpu.memory_space<hbm>> -> memref<3200000x8xf32, #tpu.memory_space<hbm>>
      tpu.wait_indirect_dma semaphore(%arg18 : memref<!tpu.dma_semaphore, #tpu.memory_space<semaphore_mem>>) src(%dma_wait3A_62 : memref<3200000x8xf32, #tpu.memory_space<hbm>>) dst(%arg10 : memref<2000x8xf32, #tpu.memory_space<vmem>>)
      %dma_wait3A_63 = arith.constant 0 : i32
      %dma_wait3A_64 = arith.constant 0 : i32
      %dma_wait3A_65 = tpu.memref_slice %arg2[%dma_wait3A_63, %dma_wait3A_64] : memref<3200000x8xf32, #tpu.memory_space<hbm>> -> memref<3200000x8xf32, #tpu.memory_space<hbm>>
      tpu.wait_indirect_dma semaphore(%arg18 : memref<!tpu.dma_semaphore, #tpu.memory_space<semaphore_mem>>) src(%dma_wait3A_65 : memref<3200000x8xf32, #tpu.memory_space<hbm>>) dst(%arg12 : memref<2000x8xf32, #tpu.memory_space<vmem>>)
      %gt3A = arith.constant 0 : i32
      %gt3A_66 = arith.cmpi sgt, %scan3A_45, %gt3A : i32
      %convert_element_type3A = arith.extui %gt3A_66 : i1 to i32
      %cond3A = arith.constant 0 : i32
      %cond3A_67 = arith.cmpi ne, %convert_element_type3A, %cond3A : i32
      scf.if %cond3A_67 {
        %dma_wait3A_127 = arith.constant 0 : i32
        %dma_wait3A_128 = tpu.memref_slice %arg5[%dma_wait3A_127] : memref<12800000xf32, #tpu.memory_space<hbm>> -> memref<2000xf32, #tpu.memory_space<hbm>>
        %dma_wait3A_129 = arith.constant 0 : i32
        %dma_wait3A_130 = tpu.memref_slice %arg5[%dma_wait3A_129] : memref<12800000xf32, #tpu.memory_space<hbm>> -> memref<2000xf32, #tpu.memory_space<hbm>>
        tpu.wait_dma2 semaphore(%arg20 : memref<!tpu.dma_semaphore, #tpu.memory_space<semaphore_mem>>) src(%arg14 : memref<2000xf32, #tpu.memory_space<vmem>>) dst(%dma_wait3A_130 : memref<2000xf32, #tpu.memory_space<hbm>>)
      } else {
      }
      %add3A_68 = arith.constant 1 : i32
      %add3A_69 = arith.addi %scan3A_45, %add3A_68 : i32
      %lt3A = arith.constant 100 : i32
      %lt3A_70 = arith.cmpi slt, %add3A_69, %lt3A : i32
      %convert_element_type3A_71 = arith.extui %lt3A_70 : i1 to i32
      %cond3A_72 = arith.constant 0 : i32
      %cond3A_73 = arith.cmpi ne, %convert_element_type3A_71, %cond3A_72 : i32
      scf.if %cond3A_73 {
        %mul3A_127 = arith.constant 2 : i32
        %mul3A_128 = arith.muli %mul3A_127, %scan3A_45 : i32
        %add3A_129 = arith.constant 2 : i32
        %add3A_130 = arith.addi %mul3A_128, %add3A_129 : i32
        %mul3A_131 = arith.constant 2000 : i32
        %mul3A_132 = arith.muli %add3A_130, %mul3A_131 : i32
        %add3A_133 = arith.addi %mul3A_2, %mul3A_132 : i32
        %dma_start3A_134 = tpu.memref_slice %arg3[%add3A_133] : memref<12800000xi32, #tpu.memory_space<hbm>> -> memref<2000xi32, #tpu.memory_space<hbm>>
        %dma_start3A_135 = tpu.memref_slice %arg3[%add3A_133] : memref<12800000xi32, #tpu.memory_space<hbm>> -> memref<2000xi32, #tpu.memory_space<hbm>>
        tpu.enqueue_dma source(%dma_start3A_135 : memref<2000xi32, #tpu.memory_space<hbm>>) target(%arg6 : memref<2000xi32, #tpu.memory_space<vmem>>) target_semaphore(%arg16 : memref<!tpu.dma_semaphore, #tpu.memory_space<semaphore_mem>>)
        %dma_start3A_136 = tpu.memref_slice %arg4[%add3A_133] : memref<12800000xi32, #tpu.memory_space<hbm>> -> memref<2000xi32, #tpu.memory_space<hbm>>
        %dma_start3A_137 = tpu.memref_slice %arg4[%add3A_133] : memref<12800000xi32, #tpu.memory_space<hbm>> -> memref<2000xi32, #tpu.memory_space<hbm>>
        tpu.enqueue_dma source(%dma_start3A_137 : memref<2000xi32, #tpu.memory_space<hbm>>) target(%arg8 : memref<2000xi32, #tpu.memory_space<vmem>>) target_semaphore(%arg16 : memref<!tpu.dma_semaphore, #tpu.memory_space<semaphore_mem>>)
      } else {
      }
      %scan3A_74 = arith.constant 0 : i32
      %scan3A_75 = arith.constant 0 : i32
      %scan3A_76 = arith.constant 125 : i32
      %scan3A_77 = arith.addi %scan3A_75, %scan3A_76 : i32
      %scan3A_78 = arith.constant 1 : i32
      scf.for %scan3A_127 = %scan3A_75 to %scan3A_77 step %scan3A_78  : i32 {
        %mul3A_128 = arith.constant 16 : i32
        %mul3A_129 = arith.muli %scan3A_127, %mul3A_128 : i32
        %add3A_130 = vector.broadcast %mul3A_129 : i32 to vector<16xi32>
        %add3A_131 = arith.addi %add3A_130, %iota3A : vector<16xi32>
        %gather3A = tpu.vector_load_idx %arg10[%add3A_131, %broadcast_in_dim3A_3] : memref<2000x8xf32, #tpu.memory_space<vmem>>[vector<16xi32>, vector<16xi32>], vector<16xf32>,
        %gather3A_132 = tpu.vector_load_idx %arg10[%add3A_131, %broadcast_in_dim3A_5] : memref<2000x8xf32, #tpu.memory_space<vmem>>[vector<16xi32>, vector<16xi32>], vector<16xf32>,
        %gather3A_133 = tpu.vector_load_idx %arg10[%add3A_131, %broadcast_in_dim3A_7] : memref<2000x8xf32, #tpu.memory_space<vmem>>[vector<16xi32>, vector<16xi32>], vector<16xf32>,
        %gather3A_134 = tpu.vector_load_idx %arg12[%add3A_131, %broadcast_in_dim3A_3] : memref<2000x8xf32, #tpu.memory_space<vmem>>[vector<16xi32>, vector<16xi32>], vector<16xf32>,
        %gather3A_135 = tpu.vector_load_idx %arg12[%add3A_131, %broadcast_in_dim3A_5] : memref<2000x8xf32, #tpu.memory_space<vmem>>[vector<16xi32>, vector<16xi32>], vector<16xf32>,
        %gather3A_136 = tpu.vector_load_idx %arg12[%add3A_131, %broadcast_in_dim3A_7] : memref<2000x8xf32, #tpu.memory_space<vmem>>[vector<16xi32>, vector<16xi32>], vector<16xf32>,
        %mul3A_137 = arith.mulf %gather3A, %gather3A_134 : vector<16xf32>
        %mul3A_138 = arith.mulf %gather3A_132, %gather3A_135 : vector<16xf32>
        %add3A_139 = arith.addf %mul3A_137, %mul3A_138 : vector<16xf32>
        %mul3A_140 = arith.mulf %gather3A_133, %gather3A_136 : vector<16xf32>
        %add3A_141 = arith.addf %add3A_139, %mul3A_140 : vector<16xf32>
        %mul3A_142 = arith.constant 0.949999988 : f32
        %mul3A_143 = vector.broadcast %mul3A_142 : f32 to vector<16xf32>
        %mul3A_144 = arith.mulf %mul3A_143, %add3A_141 : vector<16xf32>
        %abs3A = math.absf %mul3A_144 : vector<16xf32>
        %sub3A = arith.constant 1.000000e+00 : f32
        %sub3A_145 = vector.broadcast %sub3A : f32 to vector<16xf32>
        %sub3A_146 = arith.subf %sub3A_145, %abs3A : vector<16xf32>
        %max3A = arith.constant 0.000000e+00 : f32
        %max3A_147 = vector.broadcast %max3A : f32 to vector<16xf32>
        %max3A_148 = arith.maximumf %sub3A_146, %max3A_147 : vector<16xf32>
        %bitcast3A = vector.bitcast %max3A_148 : vector<16xf32> to vector<16xi32>
        %shift_right_arithmetic3A = arith.constant 1 : i32
        %shift_right_arithmetic3A_149 = vector.broadcast %shift_right_arithmetic3A : i32 to vector<16xi32>
        %shift_right_arithmetic3A_150 = arith.shrsi %bitcast3A, %shift_right_arithmetic3A_149 : vector<16xi32>
        %sub3A_151 = arith.constant 1597463007 : i32
        %sub3A_152 = vector.broadcast %sub3A_151 : i32 to vector<16xi32>
        %sub3A_153 = arith.subi %sub3A_152, %shift_right_arithmetic3A_150 : vector<16xi32>
        %bitcast3A_154 = vector.bitcast %sub3A_153 : vector<16xi32> to vector<16xf32>
        %mul3A_155 = arith.constant 5.000000e-01 : f32
        %mul3A_156 = vector.broadcast %mul3A_155 : f32 to vector<16xf32>
        %mul3A_157 = arith.mulf %mul3A_156, %max3A_148 : vector<16xf32>
        %mul3A_158 = arith.mulf %mul3A_157, %bitcast3A_154 : vector<16xf32>
        %mul3A_159 = arith.mulf %mul3A_158, %bitcast3A_154 : vector<16xf32>
        %sub3A_160 = arith.constant 1.500000e+00 : f32
        %sub3A_161 = vector.broadcast %sub3A_160 : f32 to vector<16xf32>
        %sub3A_162 = arith.subf %sub3A_161, %mul3A_159 : vector<16xf32>
        %mul3A_163 = arith.mulf %bitcast3A_154, %sub3A_162 : vector<16xf32>
        %mul3A_164 = arith.constant 5.000000e-01 : f32
        %mul3A_165 = vector.broadcast %mul3A_164 : f32 to vector<16xf32>
        %mul3A_166 = arith.mulf %mul3A_165, %max3A_148 : vector<16xf32>
        %mul3A_167 = arith.mulf %mul3A_166, %mul3A_163 : vector<16xf32>
        %mul3A_168 = arith.mulf %mul3A_167, %mul3A_163 : vector<16xf32>
        %sub3A_169 = arith.constant 1.500000e+00 : f32
        %sub3A_170 = vector.broadcast %sub3A_169 : f32 to vector<16xf32>
        %sub3A_171 = arith.subf %sub3A_170, %mul3A_168 : vector<16xf32>
        %mul3A_172 = arith.mulf %mul3A_163, %sub3A_171 : vector<16xf32>
        %mul3A_173 = arith.mulf %max3A_148, %mul3A_172 : vector<16xf32>
        %mul3A_174 = arith.constant -1.872930e-02 : f32
        %mul3A_175 = vector.broadcast %mul3A_174 : f32 to vector<16xf32>
        %mul3A_176 = arith.mulf %mul3A_175, %abs3A : vector<16xf32>
        %add3A_177 = arith.constant 7.426100e-02 : f32
        %add3A_178 = vector.broadcast %add3A_177 : f32 to vector<16xf32>
        %add3A_179 = arith.addf %mul3A_176, %add3A_178 : vector<16xf32>
        %mul3A_180 = arith.mulf %add3A_179, %abs3A : vector<16xf32>
        %add3A_181 = arith.constant -0.212114394 : f32
        %add3A_182 = vector.broadcast %add3A_181 : f32 to vector<16xf32>
        %add3A_183 = arith.addf %mul3A_180, %add3A_182 : vector<16xf32>
        %mul3A_184 = arith.mulf %add3A_183, %abs3A : vector<16xf32>
        %add3A_185 = arith.constant 1.57072878 : f32
        %add3A_186 = vector.broadcast %add3A_185 : f32 to vector<16xf32>
        %add3A_187 = arith.addf %mul3A_184, %add3A_186 : vector<16xf32>
        %mul3A_188 = arith.mulf %mul3A_173, %add3A_187 : vector<16xf32>
        %lt3A_189 = arith.constant 0.000000e+00 : f32
        %lt3A_190 = vector.broadcast %lt3A_189 : f32 to vector<16xf32>
        %lt3A_191 = arith.cmpf olt, %mul3A_144, %lt3A_190 : vector<16xf32>
        %sub3A_192 = arith.constant 3.14159274 : f32
        %sub3A_193 = vector.broadcast %sub3A_192 : f32 to vector<16xf32>
        %sub3A_194 = arith.subf %sub3A_193, %mul3A_188 : vector<16xf32>
        %select_n3A = arith.select %lt3A_191, %sub3A_194, %mul3A_188 : vector<16xi1>, vector<16xf32>
        %gt3A_195 = arith.constant 1.000000e+00 : f32
        %gt3A_196 = vector.broadcast %gt3A_195 : f32 to vector<16xf32>
        %gt3A_197 = arith.cmpf ogt, %abs3A, %gt3A_196 : vector<16xf32>
        %jit3A = arith.constant 0x7FC00000 : f32
        %broadcast_in_dim3A_198 = vector.broadcast %jit3A : f32 to vector<16xf32>
        %select_n3A_199 = arith.select %gt3A_197, %broadcast_in_dim3A_198, %select_n3A : vector<16xi1>, vector<16xf32>
        %mul3A_200 = arith.constant 16 : i32
        %mul3A_201 = arith.muli %scan3A_127, %mul3A_200 : i32
        %swap3A = arith.index_cast %mul3A_201 : i32 to index
        %swap3A_202 = tpu.vector_load %arg14[%swap3A] {strides = array<i32>} : memref<2000xf32, #tpu.memory_space<vmem>>, vector<16xf32>,
        tpu.vector_store %arg14[%swap3A], %select_n3A_199 {strides = array<i32>} : memref<2000xf32, #tpu.memory_space<vmem>>, vector<16xf32>,
      }
      %scan3A_79 = arith.constant 125 : i32
      %mul3A_80 = arith.constant 2 : i32
      %mul3A_81 = arith.muli %mul3A_80, %scan3A_45 : i32
      %mul3A_82 = arith.constant 2000 : i32
      %mul3A_83 = arith.muli %mul3A_81, %mul3A_82 : i32
      %add3A_84 = arith.addi %mul3A_2, %mul3A_83 : i32
      %dma_start3A_85 = tpu.memref_slice %arg5[%add3A_84] : memref<12800000xf32, #tpu.memory_space<hbm>> -> memref<2000xf32, #tpu.memory_space<hbm>>
      %dma_start3A_86 = tpu.memref_slice %arg5[%add3A_84] : memref<12800000xf32, #tpu.memory_space<hbm>> -> memref<2000xf32, #tpu.memory_space<hbm>>
      tpu.enqueue_dma source(%arg14 : memref<2000xf32, #tpu.memory_space<vmem>>) target(%dma_start3A_86 : memref<2000xf32, #tpu.memory_space<hbm>>) target_semaphore(%arg20 : memref<!tpu.dma_semaphore, #tpu.memory_space<semaphore_mem>>)
      %add3A_87 = arith.constant 1 : i32
      %add3A_88 = arith.addi %scan3A_45, %add3A_87 : i32
      %lt3A_89 = arith.constant 100 : i32
      %lt3A_90 = arith.cmpi slt, %add3A_88, %lt3A_89 : i32
      %convert_element_type3A_91 = arith.extui %lt3A_90 : i1 to i32
      %cond3A_92 = arith.constant 0 : i32
      %cond3A_93 = arith.cmpi ne, %convert_element_type3A_91, %cond3A_92 : i32
      scf.if %cond3A_93 {
        %dma_wait3A_127 = arith.constant 0 : i32
        %dma_wait3A_128 = tpu.memref_slice %arg3[%dma_wait3A_127] : memref<12800000xi32, #tpu.memory_space<hbm>> -> memref<2000xi32, #tpu.memory_space<hbm>>
        %dma_wait3A_129 = arith.constant 0 : i32
        %dma_wait3A_130 = tpu.memref_slice %arg3[%dma_wait3A_129] : memref<12800000xi32, #tpu.memory_space<hbm>> -> memref<2000xi32, #tpu.memory_space<hbm>>
        tpu.wait_dma2 semaphore(%arg16 : memref<!tpu.dma_semaphore, #tpu.memory_space<semaphore_mem>>) src(%dma_wait3A_130 : memref<2000xi32, #tpu.memory_space<hbm>>) dst(%arg6 : memref<2000xi32, #tpu.memory_space<vmem>>)
        %dma_wait3A_131 = arith.constant 0 : i32
        %dma_wait3A_132 = tpu.memref_slice %arg4[%dma_wait3A_131] : memref<12800000xi32, #tpu.memory_space<hbm>> -> memref<2000xi32, #tpu.memory_space<hbm>>
        %dma_wait3A_133 = arith.constant 0 : i32
        %dma_wait3A_134 = tpu.memref_slice %arg4[%dma_wait3A_133] : memref<12800000xi32, #tpu.memory_space<hbm>> -> memref<2000xi32, #tpu.memory_space<hbm>>
        tpu.wait_dma2 semaphore(%arg16 : memref<!tpu.dma_semaphore, #tpu.memory_space<semaphore_mem>>) src(%dma_wait3A_134 : memref<2000xi32, #tpu.memory_space<hbm>>) dst(%arg8 : memref<2000xi32, #tpu.memory_space<vmem>>)
        %dma_start3A_135 = arith.constant 0 : i32
        %dma_start3A_136 = arith.constant 0 : i32
        %dma_start3A_137 = tpu.memref_slice %arg2[%dma_start3A_135, %dma_start3A_136] : memref<3200000x8xf32, #tpu.memory_space<hbm>> -> memref<3200000x8xf32, #tpu.memory_space<hbm>>
        tpu.enqueue_indirect_dma source(%dma_start3A_137 : memref<3200000x8xf32, #tpu.memory_space<hbm>>) target(%arg10 : memref<2000x8xf32, #tpu.memory_space<vmem>>) offsets(%arg6 : memref<2000xi32, #tpu.memory_space<vmem>>) semaphore(%arg18 : memref<!tpu.dma_semaphore, #tpu.memory_space<semaphore_mem>>)
        %dma_start3A_138 = arith.constant 0 : i32
        %dma_start3A_139 = arith.constant 0 : i32
        %dma_start3A_140 = tpu.memref_slice %arg2[%dma_start3A_138, %dma_start3A_139] : memref<3200000x8xf32, #tpu.memory_space<hbm>> -> memref<3200000x8xf32, #tpu.memory_space<hbm>>
        tpu.enqueue_indirect_dma source(%dma_start3A_140 : memref<3200000x8xf32, #tpu.memory_space<hbm>>) target(%arg12 : memref<2000x8xf32, #tpu.memory_space<vmem>>) offsets(%arg8 : memref<2000xi32, #tpu.memory_space<vmem>>) semaphore(%arg18 : memref<!tpu.dma_semaphore, #tpu.memory_space<semaphore_mem>>)
      } else {
      }
      %dma_wait3A_94 = arith.constant 0 : i32
      %dma_wait3A_95 = arith.constant 0 : i32
      %dma_wait3A_96 = tpu.memref_slice %arg2[%dma_wait3A_94, %dma_wait3A_95] : memref<3200000x8xf32, #tpu.memory_space<hbm>> -> memref<3200000x8xf32, #tpu.memory_space<hbm>>
      tpu.wait_indirect_dma semaphore(%arg19 : memref<!tpu.dma_semaphore, #tpu.memory_space<semaphore_mem>>) src(%dma_wait3A_96 : memref<3200000x8xf32, #tpu.memory_space<hbm>>) dst(%arg11 : memref<2000x8xf32, #tpu.memory_space<vmem>>)
      %dma_wait3A_97 = arith.constant 0 : i32
      %dma_wait3A_98 = arith.constant 0 : i32
      %dma_wait3A_99 = tpu.memref_slice %arg2[%dma_wait3A_97, %dma_wait3A_98] : memref<3200000x8xf32, #tpu.memory_space<hbm>> -> memref<3200000x8xf32, #tpu.memory_space<hbm>>
      tpu.wait_indirect_dma semaphore(%arg19 : memref<!tpu.dma_semaphore, #tpu.memory_space<semaphore_mem>>) src(%dma_wait3A_99 : memref<3200000x8xf32, #tpu.memory_space<hbm>>) dst(%arg13 : memref<2000x8xf32, #tpu.memory_space<vmem>>)
      %gt3A_100 = arith.constant 0 : i32
      %gt3A_101 = arith.cmpi sgt, %scan3A_45, %gt3A_100 : i32
      %convert_element_type3A_102 = arith.extui %gt3A_101 : i1 to i32
      %cond3A_103 = arith.constant 0 : i32
      %cond3A_104 = arith.cmpi ne, %convert_element_type3A_102, %cond3A_103 : i32
      scf.if %cond3A_104 {
        %dma_wait3A_127 = arith.constant 0 : i32
        %dma_wait3A_128 = tpu.memref_slice %arg5[%dma_wait3A_127] : memref<12800000xf32, #tpu.memory_space<hbm>> -> memref<2000xf32, #tpu.memory_space<hbm>>
        %dma_wait3A_129 = arith.constant 0 : i32
        %dma_wait3A_130 = tpu.memref_slice %arg5[%dma_wait3A_129] : memref<12800000xf32, #tpu.memory_space<hbm>> -> memref<2000xf32, #tpu.memory_space<hbm>>
        tpu.wait_dma2 semaphore(%arg21 : memref<!tpu.dma_semaphore, #tpu.memory_space<semaphore_mem>>) src(%arg15 : memref<2000xf32, #tpu.memory_space<vmem>>) dst(%dma_wait3A_130 : memref<2000xf32, #tpu.memory_space<hbm>>)
      } else {
      }
      %add3A_105 = arith.constant 1 : i32
      %add3A_106 = arith.addi %scan3A_45, %add3A_105 : i32
      %lt3A_107 = arith.constant 100 : i32
      %lt3A_108 = arith.cmpi slt, %add3A_106, %lt3A_107 : i32
      %convert_element_type3A_109 = arith.extui %lt3A_108 : i1 to i32
      %cond3A_110 = arith.constant 0 : i32
      %cond3A_111 = arith.cmpi ne, %convert_element_type3A_109, %cond3A_110 : i32
      scf.if %cond3A_111 {
        %mul3A_127 = arith.constant 2 : i32
        %mul3A_128 = arith.muli %mul3A_127, %scan3A_45 : i32
        %add3A_129 = arith.constant 3 : i32
        %add3A_130 = arith.addi %mul3A_128, %add3A_129 : i32
        %mul3A_131 = arith.constant 2000 : i32
        %mul3A_132 = arith.muli %add3A_130, %mul3A_131 : i32
        %add3A_133 = arith.addi %mul3A_2, %mul3A_132 : i32
        %dma_start3A_134 = tpu.memref_slice %arg3[%add3A_133] : memref<12800000xi32, #tpu.memory_space<hbm>> -> memref<2000xi32, #tpu.memory_space<hbm>>
        %dma_start3A_135 = tpu.memref_slice %arg3[%add3A_133] : memref<12800000xi32, #tpu.memory_space<hbm>> -> memref<2000xi32, #tpu.memory_space<hbm>>
        tpu.enqueue_dma source(%dma_start3A_135 : memref<2000xi32, #tpu.memory_space<hbm>>) target(%arg7 : memref<2000xi32, #tpu.memory_space<vmem>>) target_semaphore(%arg17 : memref<!tpu.dma_semaphore, #tpu.memory_space<semaphore_mem>>)
        %dma_start3A_136 = tpu.memref_slice %arg4[%add3A_133] : memref<12800000xi32, #tpu.memory_space<hbm>> -> memref<2000xi32, #tpu.memory_space<hbm>>
        %dma_start3A_137 = tpu.memref_slice %arg4[%add3A_133] : memref<12800000xi32, #tpu.memory_space<hbm>> -> memref<2000xi32, #tpu.memory_space<hbm>>
        tpu.enqueue_dma source(%dma_start3A_137 : memref<2000xi32, #tpu.memory_space<hbm>>) target(%arg9 : memref<2000xi32, #tpu.memory_space<vmem>>) target_semaphore(%arg17 : memref<!tpu.dma_semaphore, #tpu.memory_space<semaphore_mem>>)
      } else {
      }
      %scan3A_112 = arith.constant 0 : i32
      %scan3A_113 = arith.constant 0 : i32
      %scan3A_114 = arith.constant 125 : i32
      %scan3A_115 = arith.addi %scan3A_113, %scan3A_114 : i32
      %scan3A_116 = arith.constant 1 : i32
      scf.for %scan3A_127 = %scan3A_113 to %scan3A_115 step %scan3A_116  : i32 {
        %mul3A_128 = arith.constant 16 : i32
        %mul3A_129 = arith.muli %scan3A_127, %mul3A_128 : i32
        %add3A_130 = vector.broadcast %mul3A_129 : i32 to vector<16xi32>
        %add3A_131 = arith.addi %add3A_130, %iota3A : vector<16xi32>
        %gather3A = tpu.vector_load_idx %arg11[%add3A_131, %broadcast_in_dim3A_3] : memref<2000x8xf32, #tpu.memory_space<vmem>>[vector<16xi32>, vector<16xi32>], vector<16xf32>,
        %gather3A_132 = tpu.vector_load_idx %arg11[%add3A_131, %broadcast_in_dim3A_5] : memref<2000x8xf32, #tpu.memory_space<vmem>>[vector<16xi32>, vector<16xi32>], vector<16xf32>,
        %gather3A_133 = tpu.vector_load_idx %arg11[%add3A_131, %broadcast_in_dim3A_7] : memref<2000x8xf32, #tpu.memory_space<vmem>>[vector<16xi32>, vector<16xi32>], vector<16xf32>,
        %gather3A_134 = tpu.vector_load_idx %arg13[%add3A_131, %broadcast_in_dim3A_3] : memref<2000x8xf32, #tpu.memory_space<vmem>>[vector<16xi32>, vector<16xi32>], vector<16xf32>,
        %gather3A_135 = tpu.vector_load_idx %arg13[%add3A_131, %broadcast_in_dim3A_5] : memref<2000x8xf32, #tpu.memory_space<vmem>>[vector<16xi32>, vector<16xi32>], vector<16xf32>,
        %gather3A_136 = tpu.vector_load_idx %arg13[%add3A_131, %broadcast_in_dim3A_7] : memref<2000x8xf32, #tpu.memory_space<vmem>>[vector<16xi32>, vector<16xi32>], vector<16xf32>,
        %mul3A_137 = arith.mulf %gather3A, %gather3A_134 : vector<16xf32>
        %mul3A_138 = arith.mulf %gather3A_132, %gather3A_135 : vector<16xf32>
        %add3A_139 = arith.addf %mul3A_137, %mul3A_138 : vector<16xf32>
        %mul3A_140 = arith.mulf %gather3A_133, %gather3A_136 : vector<16xf32>
        %add3A_141 = arith.addf %add3A_139, %mul3A_140 : vector<16xf32>
        %mul3A_142 = arith.constant 0.949999988 : f32
        %mul3A_143 = vector.broadcast %mul3A_142 : f32 to vector<16xf32>
        %mul3A_144 = arith.mulf %mul3A_143, %add3A_141 : vector<16xf32>
        %abs3A = math.absf %mul3A_144 : vector<16xf32>
        %sub3A = arith.constant 1.000000e+00 : f32
        %sub3A_145 = vector.broadcast %sub3A : f32 to vector<16xf32>
        %sub3A_146 = arith.subf %sub3A_145, %abs3A : vector<16xf32>
        %max3A = arith.constant 0.000000e+00 : f32
        %max3A_147 = vector.broadcast %max3A : f32 to vector<16xf32>
        %max3A_148 = arith.maximumf %sub3A_146, %max3A_147 : vector<16xf32>
        %bitcast3A = vector.bitcast %max3A_148 : vector<16xf32> to vector<16xi32>
        %shift_right_arithmetic3A = arith.constant 1 : i32
        %shift_right_arithmetic3A_149 = vector.broadcast %shift_right_arithmetic3A : i32 to vector<16xi32>
        %shift_right_arithmetic3A_150 = arith.shrsi %bitcast3A, %shift_right_arithmetic3A_149 : vector<16xi32>
        %sub3A_151 = arith.constant 1597463007 : i32
        %sub3A_152 = vector.broadcast %sub3A_151 : i32 to vector<16xi32>
        %sub3A_153 = arith.subi %sub3A_152, %shift_right_arithmetic3A_150 : vector<16xi32>
        %bitcast3A_154 = vector.bitcast %sub3A_153 : vector<16xi32> to vector<16xf32>
        %mul3A_155 = arith.constant 5.000000e-01 : f32
        %mul3A_156 = vector.broadcast %mul3A_155 : f32 to vector<16xf32>
        %mul3A_157 = arith.mulf %mul3A_156, %max3A_148 : vector<16xf32>
        %mul3A_158 = arith.mulf %mul3A_157, %bitcast3A_154 : vector<16xf32>
        %mul3A_159 = arith.mulf %mul3A_158, %bitcast3A_154 : vector<16xf32>
        %sub3A_160 = arith.constant 1.500000e+00 : f32
        %sub3A_161 = vector.broadcast %sub3A_160 : f32 to vector<16xf32>
        %sub3A_162 = arith.subf %sub3A_161, %mul3A_159 : vector<16xf32>
        %mul3A_163 = arith.mulf %bitcast3A_154, %sub3A_162 : vector<16xf32>
        %mul3A_164 = arith.constant 5.000000e-01 : f32
        %mul3A_165 = vector.broadcast %mul3A_164 : f32 to vector<16xf32>
        %mul3A_166 = arith.mulf %mul3A_165, %max3A_148 : vector<16xf32>
        %mul3A_167 = arith.mulf %mul3A_166, %mul3A_163 : vector<16xf32>
        %mul3A_168 = arith.mulf %mul3A_167, %mul3A_163 : vector<16xf32>
        %sub3A_169 = arith.constant 1.500000e+00 : f32
        %sub3A_170 = vector.broadcast %sub3A_169 : f32 to vector<16xf32>
        %sub3A_171 = arith.subf %sub3A_170, %mul3A_168 : vector<16xf32>
        %mul3A_172 = arith.mulf %mul3A_163, %sub3A_171 : vector<16xf32>
        %mul3A_173 = arith.mulf %max3A_148, %mul3A_172 : vector<16xf32>
        %mul3A_174 = arith.constant -1.872930e-02 : f32
        %mul3A_175 = vector.broadcast %mul3A_174 : f32 to vector<16xf32>
        %mul3A_176 = arith.mulf %mul3A_175, %abs3A : vector<16xf32>
        %add3A_177 = arith.constant 7.426100e-02 : f32
        %add3A_178 = vector.broadcast %add3A_177 : f32 to vector<16xf32>
        %add3A_179 = arith.addf %mul3A_176, %add3A_178 : vector<16xf32>
        %mul3A_180 = arith.mulf %add3A_179, %abs3A : vector<16xf32>
        %add3A_181 = arith.constant -0.212114394 : f32
        %add3A_182 = vector.broadcast %add3A_181 : f32 to vector<16xf32>
        %add3A_183 = arith.addf %mul3A_180, %add3A_182 : vector<16xf32>
        %mul3A_184 = arith.mulf %add3A_183, %abs3A : vector<16xf32>
        %add3A_185 = arith.constant 1.57072878 : f32
        %add3A_186 = vector.broadcast %add3A_185 : f32 to vector<16xf32>
        %add3A_187 = arith.addf %mul3A_184, %add3A_186 : vector<16xf32>
        %mul3A_188 = arith.mulf %mul3A_173, %add3A_187 : vector<16xf32>
        %lt3A_189 = arith.constant 0.000000e+00 : f32
        %lt3A_190 = vector.broadcast %lt3A_189 : f32 to vector<16xf32>
        %lt3A_191 = arith.cmpf olt, %mul3A_144, %lt3A_190 : vector<16xf32>
        %sub3A_192 = arith.constant 3.14159274 : f32
        %sub3A_193 = vector.broadcast %sub3A_192 : f32 to vector<16xf32>
        %sub3A_194 = arith.subf %sub3A_193, %mul3A_188 : vector<16xf32>
        %select_n3A = arith.select %lt3A_191, %sub3A_194, %mul3A_188 : vector<16xi1>, vector<16xf32>
        %gt3A_195 = arith.constant 1.000000e+00 : f32
        %gt3A_196 = vector.broadcast %gt3A_195 : f32 to vector<16xf32>
        %gt3A_197 = arith.cmpf ogt, %abs3A, %gt3A_196 : vector<16xf32>
        %jit3A = arith.constant 0x7FC00000 : f32
        %broadcast_in_dim3A_198 = vector.broadcast %jit3A : f32 to vector<16xf32>
        %select_n3A_199 = arith.select %gt3A_197, %broadcast_in_dim3A_198, %select_n3A : vector<16xi1>, vector<16xf32>
        %mul3A_200 = arith.constant 16 : i32
        %mul3A_201 = arith.muli %scan3A_127, %mul3A_200 : i32
        %swap3A = arith.index_cast %mul3A_201 : i32 to index
        %swap3A_202 = tpu.vector_load %arg15[%swap3A] {strides = array<i32>} : memref<2000xf32, #tpu.memory_space<vmem>>, vector<16xf32>,
        tpu.vector_store %arg15[%swap3A], %select_n3A_199 {strides = array<i32>} : memref<2000xf32, #tpu.memory_space<vmem>>, vector<16xf32>,
      }
      %scan3A_117 = arith.constant 125 : i32
      %mul3A_118 = arith.constant 2 : i32
      %mul3A_119 = arith.muli %mul3A_118, %scan3A_45 : i32
      %add3A_120 = arith.constant 1 : i32
      %add3A_121 = arith.addi %mul3A_119, %add3A_120 : i32
      %mul3A_122 = arith.constant 2000 : i32
      %mul3A_123 = arith.muli %add3A_121, %mul3A_122 : i32
      %add3A_124 = arith.addi %mul3A_2, %mul3A_123 : i32
      %dma_start3A_125 = tpu.memref_slice %arg5[%add3A_124] : memref<12800000xf32, #tpu.memory_space<hbm>> -> memref<2000xf32, #tpu.memory_space<hbm>>
      %dma_start3A_126 = tpu.memref_slice %arg5[%add3A_124] : memref<12800000xf32, #tpu.memory_space<hbm>> -> memref<2000xf32, #tpu.memory_space<hbm>>
      tpu.enqueue_dma source(%arg15 : memref<2000xf32, #tpu.memory_space<vmem>>) target(%dma_start3A_126 : memref<2000xf32, #tpu.memory_space<hbm>>) target_semaphore(%arg21 : memref<!tpu.dma_semaphore, #tpu.memory_space<semaphore_mem>>)
    }
    %scan3A_36 = arith.constant 100 : i32
    %dma_wait3A_37 = arith.constant 0 : i32
    %dma_wait3A_38 = tpu.memref_slice %arg5[%dma_wait3A_37] : memref<12800000xf32, #tpu.memory_space<hbm>> -> memref<2000xf32, #tpu.memory_space<hbm>>
    %dma_wait3A_39 = arith.constant 0 : i32
    %dma_wait3A_40 = tpu.memref_slice %arg5[%dma_wait3A_39] : memref<12800000xf32, #tpu.memory_space<hbm>> -> memref<2000xf32, #tpu.memory_space<hbm>>
    tpu.wait_dma2 semaphore(%arg20 : memref<!tpu.dma_semaphore, #tpu.memory_space<semaphore_mem>>) src(%arg14 : memref<2000xf32, #tpu.memory_space<vmem>>) dst(%dma_wait3A_40 : memref<2000xf32, #tpu.memory_space<hbm>>)
    %dma_wait3A_41 = arith.constant 0 : i32
    %dma_wait3A_42 = tpu.memref_slice %arg5[%dma_wait3A_41] : memref<12800000xf32, #tpu.memory_space<hbm>> -> memref<2000xf32, #tpu.memory_space<hbm>>
    %dma_wait3A_43 = arith.constant 0 : i32
    %dma_wait3A_44 = tpu.memref_slice %arg5[%dma_wait3A_43] : memref<12800000xf32, #tpu.memory_space<hbm>> -> memref<2000xf32, #tpu.memory_space<hbm>>
    tpu.wait_dma2 semaphore(%arg21 : memref<!tpu.dma_semaphore, #tpu.memory_space<semaphore_mem>>) src(%arg15 : memref<2000xf32, #tpu.memory_space<vmem>>) dst(%dma_wait3A_44 : memref<2000xf32, #tpu.memory_space<hbm>>)
    return
  }
}

</mosaic_0001>

<sc_bundles>
// kernel: kernel.4.cloned.1.call-start
scs
__scs_entry_jumppad:
0x0: {  	(pc) =	sbr.rel $0x88, $3  }
0x1: {  	(tag) =	ssettag $0x0;
	lr =	simm.s32 $0x1  }
0x2: {  	[smem:$0x3F9D] =	sst lr;
	_ =	strace $0xD0000000  }
0x3: {  	_ = 	snop  }
0x4: {  	_ = 	snop  }
0x5: {  	_ = 	snop  }
0x6: {  	_ = 	snop  }
0x7: {  	_ = 	snop  }
__scs_overlays_trampoline_lowered:
0x8: {  	[smem:$0x3FAC] =	sst s0  }
0x9: {  	[smem:$0x3FAD] =	sst s1  }
0xa: {  	[smem:$0x3FAE] =	sst s2  }
0xb: {  	[smem:$0x3FAF] =	sst s3  }
0xc: {  	[smem:$0x3FB0] =	sst s4  }
0xd: {  	[smem:$0x3FB1] =	sst s5  }
0xe: {  	[smem:$0x3FB2] =	sst s6  }
0xf: {  	[smem:$0x3FB3] =	sst s7  }
0x10: {  	[smem:$0x3FB4] =	sst s8  }
0x11: {  	[smem:$0x3FB5] =	sst s9;
	s0 =	simm.s32 @!p0 $0x0  }
0x12: {  	s1 =	sld [smem:$0x3F9B];
	s0 =	simm.s32 @p0 $0x1  }
0x13: {  	[smem:$0x3FB6] =	sst s0;
	s0 =	simm.s32 @!p1 $0x0  }
0x14: {  	s2 =	sld [smem:$0x3F9A];
	s0 =	simm.s32 @p1 $0x1  }
0x15: {  	[smem:$0x3FB7] =	sst s0;
	s0 =	simm.s32 @!p2 $0x0  }
0x16: {  	s3 =	sld [smem:$0x3FDB];
	s0 =	simm.s32 @p2 $0x1  }
0x17: {  	s4 =	simm.s32 $0x1BF5;
	[smem:$0x3FB9] =	sst s0  }
0x18: {  	s0 =	sld [smem:$0x3F9C];
	_ =	swait.ge [sflag:s4], $0x0  }
0x19: {  	s7 =	sld [smem:$0x3F9D]  }
0x1a: {  	s8 =	sadd.s32 $0xFFFFE003, lr  }
0x1b: {  	s9 =	sadd.s32 $0xFFFFFEF7, lr;
	s5 =	simm.s32 $0xFFFFFFFF;
	p2 =	slt.u32 s8, $0xFFFFF086  }
0x1c: {  	p1 =	slt.u32 s9, $0xF7A;
	s5 =	simm.s32 @!p2 $0x0  }
0x1d: {  	s5 =	simm.s32 @p1 $0x1;
	p0 =	seq.s32 s7, s2  }
0x1e: {  	s7 =	smul.u32 @!p0 $0xF7A, s2;
	p2 =	seq.s32 @!p0 s5, $0x0  }
0x1f: {  	s9 =	smul.u32 $0xF7A, s1;
	s8 =	simm.s32 @!p0 $0x1BF5;
	p2 =	por !p2, p0  }
0x20: {  	[sflag:s8] =	ssyncset.s32 @!p0 $0xFFFFF086;
	s6 =	sadd.s32 @!p0 s3, s7;
	s7 =	simm.s32 @!p0 $0x108  }
0x21: {  	s3 =	sadd.s32 s3, s9;
	s6 =	sadd.s32 @!p0 $0x88, s6;
	s7 =	simm.s32 @p2 $0x1082  }
0x22: {  	[simem:s7], [sflag:s8] =	dma.local @!p0 [hbm:s6], $0xF7A  }
0x23: {  	s9 =	sor.u32 $0xD0000000, s2;
	s6 =	simm.s32 $0x108;
	_ =	swait.ge @!p0 [sflag:s8], $0x0  }
0x24: {  	s3 =	sadd.s32 $0x88, s3;
	s6 =	simm.s32 @!p1 $0x1082;
	[sflag:s4] =	ssyncset.s32 $0xFFFFF086  }
0x25: {  	[simem:s6], [sflag:s4] =	dma.local [hbm:s3], $0xF7A  }
0x26: {  	[smem:$0x3F9D] =	sst s1;
	(tag) =	ssettag s2;
	_ =	strace s9  }
0x27: {  	s1 =	sld [smem:$0x3FAD]  }
0x28: {  	s2 =	sld [smem:$0x3FAE]  }
0x29: {  	s4 =	sld [smem:$0x3FB0]  }
0x2a: {  	p0 =	seq.s32 s5, $0x0;
	s5 =	sld [smem:$0x3FB1]  }
0x2b: {  	s6 =	sld [smem:$0x3FB2]  }
0x2c: {  	s7 =	sld [smem:$0x3FB3]  }
0x2d: {  	s3 =	simm.s32 $0x108;
	s8 =	sld [smem:$0x3FB4]  }
0x2e: {  	s3 =	simm.s32 @!p0 $0x1082;
	s9 =	sld [smem:$0x3FB5]  }
0x2f: {  	lr =	sadd.s32 s0, s3;
	s0 =	sld [smem:$0x3FAC]  }
0x30: {  	s3 =	sld [smem:$0x3FAF]  }
0x31: {  	[smem:$0x3FB8] =	sst s10  }
0x32: {  	s10 =	sld [smem:$0x3FB6];
	_ =	sdelay $0x3  }
0x33: {  	p0 =	seq.s32 s10, $0x1;
	s10 =	sld [smem:$0x3FB8];
	_ =	sdelay $0x3  }
0x34: {  	[smem:$0x3FB8] =	sst s10  }
0x35: {  	s10 =	sld [smem:$0x3FB7];
	_ =	sdelay $0x3  }
0x36: {  	p1 =	seq.s32 s10, $0x1;
	s10 =	sld [smem:$0x3FB8];
	_ =	sdelay $0x3  }
0x37: {  	[smem:$0x3FB8] =	sst s10  }
0x38: {  	s10 =	sld [smem:$0x3FB9]  }
0x39: {  	_ = 	snop;
	(pc) =	sbr.ind lr, $3  }
0x3a: {  	_ = 	snop  }
0x3b: {  	_ = 	snop  }
0x3c: {  	p2 =	seq.s32 s10, $0x1;
	s10 =	sld [smem:$0x3FB8]  }
0x3d: {  	_ =	shalt  }
0x3e: {  	_ =	shalt  }
0x3f: {  	_ =	shalt  }
0x40: {  	_ =	shalt  }
0x41: {  	_ =	shalt  }
0x42: {  	_ =	shalt  }
0x43: {  	_ =	shalt  }
0x44: {  	_ =	shalt  }
0x45: {  	_ =	shalt  }
0x46: {  	_ =	shalt  }
0x47: {  	_ =	shalt  }
0x48: {  	_ =	shalt  }
0x49: {  	_ =	shalt  }
0x4a: {  	_ =	shalt  }
0x4b: {  	_ =	shalt  }
0x4c: {  	_ =	shalt  }
0x4d: {  	_ =	shalt  }
0x4e: {  	_ =	shalt  }
0x4f: {  	_ =	shalt  }
0x50: {  	_ =	shalt  }
0x51: {  	_ =	shalt  }
0x52: {  	_ =	shalt  }
0x53: {  	_ =	shalt  }
0x54: {  	_ =	shalt  }
0x55: {  	_ =	shalt  }
0x56: {  	_ =	shalt  }
0x57: {  	_ =	shalt  }
0x58: {  	_ =	shalt  }
0x59: {  	_ =	shalt  }
0x5a: {  	_ =	shalt  }
0x5b: {  	_ =	shalt  }
0x5c: {  	_ =	shalt  }
0x5d: {  	_ =	shalt  }
0x5e: {  	_ =	shalt  }
0x5f: {  	_ =	shalt  }
0x60: {  	_ =	shalt  }
0x61: {  	_ =	shalt  }
0x62: {  	_ =	shalt  }
0x63: {  	_ =	shalt  }
0x64: {  	_ =	shalt  }
0x65: {  	_ =	shalt  }
0x66: {  	_ =	shalt  }
0x67: {  	_ =	shalt  }
0x68: {  	_ =	shalt  }
0x69: {  	_ =	shalt  }
0x6a: {  	_ =	shalt  }
0x6b: {  	_ =	shalt  }
0x6c: {  	_ =	shalt  }
0x6d: {  	_ =	shalt  }
0x6e: {  	_ =	shalt  }
0x6f: {  	_ =	shalt  }
0x70: {  	_ =	shalt  }
0x71: {  	_ =	shalt  }
0x72: {  	_ =	shalt  }
0x73: {  	_ =	shalt  }
0x74: {  	_ =	shalt  }
0x75: {  	_ =	shalt  }
0x76: {  	_ =	shalt  }
0x77: {  	_ =	shalt  }
0x78: {  	_ =	shalt  }
0x79: {  	_ =	shalt  }
0x7a: {  	_ =	shalt  }
0x7b: {  	_ =	shalt  }
0x7c: {  	_ =	shalt  }
0x7d: {  	_ =	shalt  }
0x7e: {  	_ =	shalt  }
0x7f: {  	_ =	shalt  }
0x80: {  	_ =	shalt  }
0x81: {  	_ =	shalt  }
0x82: {  	_ =	shalt  }
0x83: {  	_ =	shalt  }
0x84: {  	_ =	shalt  }
0x85: {  	_ =	shalt  }
0x86: {  	_ =	shalt  }
0x87: {  	_ =	shalt  }
.Lfunc_end0:
.L_simem_size_0:
called_computation_lowered:
.L_overlay_start_0:
0x88: {  	s2 =	sld [smem:$0x3FD9]  }
0x89: {  	s3 =	sld [smem:$0x3FFE];
	_ =	sdelay $0x1  }
0x8a: {  	s1 =	srdreg.scid  }
0x8b: {  	s0 =	sand.u32 $0x1, s1  }
0x8c: {  	s17 =	sshll.u32 s0, $0xA;
	s2 =	sadd.s32 s3, s2  }
0x8d: {  	s2 =	sadd.s32 s2, s17  }
0x8e: {  	[smem:$0x3FC4] =	sst s2  }
0x8f: {  	_ = 	snop  }
0x90: {  	s2 =	sld [smem:$0x3FC9]  }
0x91: {  	s18 =	sld [smem:$0x3FD0];
	(tm) =	ssettm $0x1  }
0x92: {  	s4 =	sld [smem:$0x3FFB];
	_ =	sdelay $0x3  }
0x93: {  	_ =	strace s4  }
0x94: {  	s4 =	sld [smem:$0x3FFC];
	_ =	sdelay $0x3  }
0x95: {  	_ =	strace s4  }
0x96: {  	s4 =	sld [smem:$0x3FFD];
	_ =	sdelay $0x3  }
0x97: {  	_ =	strace s4  }
0x98: {  	_ =	strace $0x8FFFFFFF  }
0x99: {  	s19 =	sld [smem:$0x3FDB];
	_ =	sdelay $0x1  }
0x9a: {  	s5 =	simm.s32 $_scs_section_size  }
0x9b: {  	s6 =	simm.s32 $_size__tile_overlayer_lowered;
	s7 =	simm.s32 $_tile_overlayer_lowered  }
0x9c: {  	s22 =	simm.s32 $0x1BFF;
	s21 =	sshll.u32 s7, $0x1;
	s4 =	sadd.s32 s5, s19  }
0x9d: {  	s8 =	simm.s32 $0x0;
	s20 =	sshll.u32 s6, $0x1;
	s6 =	sadd.s32 s21, s4  }
0x9e: {  	[timem:s8], [sflag:s22] =	dma.local [hbm:s6], s20  }
0x9f: {  	_ =	swait.ge [sflag:s22], s20  }
0xa0: {  	s5 =	ssub.s32 $0x0, s20;
	[sflag:s22] =	ssyncset.done $0x0  }
0xa1: {  	[sflag:s22] =	ssyncadd.s32 s5;
	_ =	sdelay $0x1  }
0xa2: {  	s23 =	simm.s32 $0x1B8B  }
0xa3: {  	_ =	swait.ge [sflag:s23], $0x1  }
0xa4: {  	[sflag:s23] =	ssyncset.done $0x0  }
0xa5: {  	s25 =	simm.s32 $0x1B8E;
	s24 =	sld [smem:$0x3FFE];
	[sflag:s23] =	ssyncadd.s32 $0xFFFFFFFF  }
0xa6: {  	s26 =	simm.s32 $execute0_lowered;
	[smem:$0x3FD2] =	sst s25  }
0xa7: {  	s6 =	sshll.u32 s26, $0x1;
	_ =	strace $0x80000046;
	[dreg:$0x1] =	wrdreg $0xFFFFFFFF  }
0xa8: {  	s28 =	simm.s32 $_size_execute0_lowered;
	s4 =	sadd.s32 s4, s6;
	[dreg:$0x0] =	wrdreg $0x0  }
0xa9: {  	s6 =	sshll.u32 s28, $0x1;
	[dreg:$0x2] =	wrdreg s4  }
0xaa: {  	[dreg:$0x3] =	wrdreg s6  }
0xab: {  	[dreg:$0x4] =	wrdreg $0xC0  }
0xac: {  	_ =	task [dreg:s8], $0x5FFFF  }
0xad: {  	[dreg:$0x1] =	wrdreg $0xFFFFFFFF  }
0xae: {  	[dreg:$0x0] =	wrdreg $0x60  }
0xaf: {  	[dreg:$0x2] =	wrdreg s2  }
0xb0: {  	[dreg:$0x3] =	wrdreg s24  }
0xb1: {  	[dreg:$0x4] =	wrdreg s18  }
0xb2: {  	[dreg:$0x5] =	wrdreg $0x9  }
0xb3: {  	_ =	task.clear_ibuf [dreg:s8], $0x6FFFF;
	_ =	strace $0x90000046  }
0xb4: {  	s29 =	simm.s32 $0x9;
	_ =	strace $0x80000048  }
0xb5: {  	_ =	swait.ge [sflag:s29], $0x1  }
0xb6: {  	[sflag:s29] =	ssyncadd.s32 $0xFFFFFFFF  }
0xb7: {  	_ =	strace $0x90000048  }
0xb8: {  	_ =	sfence  }
0xb9: {  	s30 =	sld [smem:$0x0];
	_ =	sdelay $0x2  }
0xba: {  	s31 =	sshll.u32 s1, $0xD;
	s1 =	sshrl.u32 s1, $0x2  }
0xbb: {  	s3 =	sand.u32 $0x4000, s31;
	s1 =	sadd.s32 s1, s30  }
0xbc: {  	s0 =	sor.u32 s3, s0;
	s1 =	sshll.u32 s1, $0x11  }
0xbd: {  	s0 =	sor.u32 s1, s0  }
0xbe: {  	s0 =	sadd.s32 $0x8F2B, s0  }
0xbf: {  	[sflag:s0] =	ssyncadd.remote.s32 $0x1  }
0xc0: {  	_ =	sfence.sel $0xFFFF  }
0xc1: {  	[dreg:$0x0] =	wrdreg $0xFFFFFFFF;
	(pc) =	sbr.abs _section_cstart, $3  }
0xc2: {  	[dreg:$0x1] =	wrdreg $0xFFFFFFFF  }
0xc3: {  	_ =	task.clear_ibuf [dreg:s8], $0x2FFFF;
	_ =	strace $0x9FFFFFFF  }
0xc4: {  	(tm) =	ssettm $0x7FFFFFFF  }
0xc5: {  	_ =	shalt  }
tec
execute0_lowered:
.L_overlay_start_1:
0x0: {  	(tag) =	ssettag $0x1  }
0x1: {  	s1 =	rddreg [dreg:$0x0]  }
0x2: {  	s0 =	rddreg [dreg:$0x1]  }
0x3: {  	s3 =	rddreg [dreg:$0x2]  }
0x4: {  	s2 =	srdreg.scid;
	s5 =	stileid.u32;
	s4 =	simm.s32 $0x0  }
0x5: {  	s20 =	simm.s32 $0x3E80;
	s21 =	simm.s32 $0x7D00;
	s30 =	simm.s32 $0x1  }
0x6: {  	s31 =	simm.s32 $0x2;
	s22 =	simm.s32 $0x0;
	s23 =	simm.s32 $0x0  }
0x7: {  	s2 =	sand.u32 $0x1, s2;
	s5 =	sshll.u32 s5, $0x1;
	[smem:$0x7FF] =	sst s4  }
0x8: {  	s6 =	sadd.s32 $0xA00, s0;
	s5 =	sor.u32 s2, s5;
	s2 =	ssub.s32 $0x2, s2  }
0x9: {  	_ =	strace $0x80000047;
	s7 =	smul.u32 $0x186A0, s5;
	s8 =	sshrl.u32 s2, $0x1  }
0xa: {  	s5 =	sadd.s32 $0x62600, s0;
	s0 =	sadd.s32 $0xC4200, s0;
	s2 =	ssub.s32 s2, s8  }
0xb: {  	s10 =	sshrl.u32 s7, $0x3;
	s28 =	sadd.s32 $0x7D0, s7;
	s15 =	sadd.s32 s0, s7  }
0xc: {  	s16 =	sadd.s32 $0xFA0, s7;
	s18 =	sadd.s32 $0x1770, s7;
	s19 =	smax.u32 s2, $0x1  }
0xd: {  	s2 =	simm.s32 $0x4;
	s26 =	sadd.s32 s1, s10;
	s9 =	sadd.s32 s5, s10  }
0xe: {  	s29 =	sadd.s32 s6, s10;
	s14 =	sshrl.u32 s28, $0x3;
	[dreg:$0x4] =	wrdreg s26  }
0xf: {  	v3 =	vlaneseq.u32;
	s10 =	sadd.s32 s3, s10;
	s17 =	sadd.s32 s0, s28;
	[dreg:$0x5] =	wrdreg s9  }
0x10: {  	v2 =	vimm.f32 $0.0e+00;
	v0 =	vshrl.u32 v3, $0x3;
	s0 =	simm.s32 $0x3;
	[dreg:$0x6] =	wrdreg s29;
	s11 =	sadd.s32 s1, s14  }
0x11: {  	v1 =	vand.u32 $0x7, v3;
	v3 =	vmul.u32 $0x8, v3;
	v0 =	vmul.u32 $0x8, v0;
	s12 =	sadd.s32 s5, s14;
	s13 =	sadd.s32 s6, s14;
	s14 =	sadd.s32 s3, s14  }
.LBB2_1:
0x12: {  	v4 =	vmov s4  }
0x13: {  	v4 =	vshll.u32 v4, $0x3  }
0x14: {  	v4 =	vor.u32 v0, v4  }
0x15: {  	s7 =	simm.s32 $0x2;
	v4 =	vor.u32 v1, v4  }
.LBB2_2:
0x16: {  	p0 =	sne.s32 s7, $0x7CE  }
.Ltmp0:
0x17: {  	_ = 	snop;
	(pc) =	sbr.rel @p0 .LBB2_2-.Ltmp0, $4  }
0x18: {  	v5 =	vmov s7  }
0x19: {  	v5 =	vshll.u32 v5, $0x3  }
0x1a: {  	[tilespmem:v4+s20+$0x0] =	vst.idx.msk $0xffff, v2;
	v5 =	vor.u32 v0, v5  }
0x1b: {  	s7 =	sadd.s32 $0x2, s7;
	[tilespmem:v4+s21+$0x0] =	vst.idx.msk $0xffff, v2;
	v4 =	vor.u32 v1, v5  }
0x1c: {  	_ =	sdelay $0x3  }
0x1d: {  	[tilespmem:v4+s20+$0x0] =	vst.idx.msk $0xffff, v2  }
0x1e: {  	s7 =	rddreg [dreg:$0x4];
	[tilespmem:v4+s21+$0x0] =	vst.idx.msk $0xffff, v2  }
0x1f: {  	[tilespmem:s23], [sflag:$0x1] =	stream.linear.gather [hbm4b:s7+s23], $0x7D0, $0x38;
	[tilespmem:$0xBB80] =	vst v63  }
0x20: {  	s29 =	rddreg [dreg:$0x5];
	s8 =	simm.s32 $0xFA0  }
0x21: {  	[tilespmem:s8], [sflag:$0x1] =	stream.linear.gather [hbm4b:s29+s23], $0x7D0, $0x38;
	[tilespmem:$0xBB80] =	vst v63  }
0x22: {  	s9 =	simm.s32 $0x1F40;
	s8 =	rddreg [dreg:$0x6]  }
0x23: {  	[tilespmem:s9], [sflag:$0x1] =	stream.linear.gather [hbm4b:s8+s23], $0x7D0, $0x38;
	[tilespmem:$0xBB80] =	vst v63  }
0x24: {  	s24 =	simm.s32 $0x2EE0  }
0x25: {  	[tilespmem:s24], [sflag:$0x1] =	stream.linear.gather [hbm4b:s10+s23], $0x7D0, $0x38;
	[tilespmem:$0xBB80] =	vst v63  }
0x26: {  	s25 =	simm.s32 $0x7D0  }
0x27: {  	[tilespmem:s25], [sflag:$0x2] =	stream.linear.gather [hbm4b:s11+s23], $0x7D0, $0x38;
	[tilespmem:$0xBB80] =	vst v63  }
0x28: {  	s26 =	simm.s32 $0x1770  }
0x29: {  	[tilespmem:s26], [sflag:$0x2] =	stream.linear.gather [hbm4b:s12+s23], $0x7D0, $0x38;
	[tilespmem:$0xBB80] =	vst v63  }
0x2a: {  	s28 =	simm.s32 $0x2710  }
0x2b: {  	[tilespmem:s28], [sflag:$0x2] =	stream.linear.gather [hbm4b:s13+s23], $0x7D0, $0x38;
	[tilespmem:$0xBB80] =	vst v63  }
0x2c: {  	s29 =	simm.s32 $0x36B0;
	s24 =	simm.s32 $0x0  }
0x2d: {  	[tilespmem:s29], [sflag:$0x2] =	stream.linear.gather [hbm4b:s14+s23], $0x7D0, $0x38;
	[tilespmem:$0xBB80] =	vst v63  }
.LBB2_4:
0x2e: {  	_ =	swait.ge [sflag:s30], $0x7D0  }
0x2f: {  	[sflag:s30] =	ssyncset.done $0x0  }
0x30: {  	[sflag:s30] =	ssyncadd.s32 $0xFFFFF830  }
0x31: {  	_ =	swait.ge [sflag:s30], $0x7D0  }
0x32: {  	[sflag:s30] =	ssyncset.done $0x0  }
0x33: {  	[sflag:s30] =	ssyncadd.s32 $0xFFFFF830  }
0x34: {  	_ =	swait.ge [sflag:s30], $0x7D0  }
0x35: {  	[sflag:s30] =	ssyncset.done $0x0  }
0x36: {  	[sflag:s30] =	ssyncadd.s32 $0xFFFFF830  }
0x37: {  	_ =	swait.ge [sflag:s30], $0x7D0  }
0x38: {  	p1 =	seq.s32 s24, $0x0;
	[sflag:s30] =	ssyncset.done $0x0  }
0x39: {  	s7 =	simm.s32 @!p1 $0x3;
	[sflag:s30] =	ssyncadd.s32 $0xFFFFF830  }
0x3a: {  	_ =	swait.ge @!p1 [sflag:s7], $0x3E80  }
0x3b: {  	[sflag:s7] =	ssyncset.done @!p1 $0x0  }
0x3c: {  	[sflag:s7] =	ssyncadd.s32 @!p1 $0xFFFFC180  }
0x3d: {  	v4 =	vld [tilespmem:s23+$0x0];
	_ =	sdelay $0x4  }
0x3e: {  	v4 =	vmax.f32 v4, $9.999999740e-06  }
0x3f: {  	(erf) = vrcp.f32 v4;
	_ =	sdelay $0x3  }
0x40: {  	s25 =	simm.s32 $0xFA0  }
0x41: {  	v5 =	vld [tilespmem:s25+$0x0];
	v4 =	vmov s23  }
0x42: {  	v4 =	vshll.u32 v4, $0x3  }
0x43: {  	v4 =	vor.u32 v3, v4;
	_ =	sdelay $0x1  }
0x44: {  	v6 =	vpop (erf)  }
0x45: {  	v5 =	vmul.f32 v6, v5;
	_ =	sdelay $0x1  }
0x46: {  	s26 =	simm.s32 $0x1F40;
	[tilespmem:v4+s20+$0x0] =	vst.idx.msk $0xffff, v5  }
0x47: {  	v5 =	vld [tilespmem:s26+$0x0];
	_ =	sdelay $0x1  }
0x48: {  	v7 =	vor.u32 $0x1, v4;
	_ =	sdelay $0x2  }
0x49: {  	v5 =	vmul.f32 v5, v6;
	_ =	sdelay $0x1  }
0x4a: {  	s9 =	simm.s32 $0x2EE0;
	[tilespmem:v7+s20+$0x0] =	vst.idx.msk $0xffff, v5  }
0x4b: {  	v5 =	vld [tilespmem:s9+$0x0];
	_ =	sdelay $0x1  }
0x4c: {  	v4 =	vor.u32 $0x2, v4;
	_ =	sdelay $0x2  }
0x4d: {  	v5 =	vmul.f32 v5, v6  }
0x4e: {  	s28 =	simm.s32 $0x10;
	s29 =	simm.s32 $0x0;
	s7 =	simm.s32 $0x2EF0  }
.LBB2_5:
0x4f: {  	[tilespmem:v4+s20+$0x0] =	vst.idx.msk $0xffff, v5;
	s29 =	sadd.s32 $0x10, s29;
	s25 =	sadd.s32 $0x10, s25;
	s26 =	sadd.s32 $0x10, s26  }
0x50: {  	p0 =	sne.s32 s28, $0x7C0;
	s8 =	smov.u32 s28;
	s28 =	sadd.s32 $0x10, s28;
	v4 =	vld [tilespmem:s29+$0x0]  }
0x51: {  	_ =	sdelay $0x3  }
0x52: {  	v4 =	vmax.f32 v4, $9.999999740e-06  }
0x53: {  	(erf) = vrcp.f32 v4;
	_ =	sdelay $0x4  }
0x54: {  	v4 =	vmov s8;
	v5 =	vld [tilespmem:s25+$0x0]  }
0x55: {  	v4 =	vshll.u32 v4, $0x3  }
0x56: {  	v4 =	vor.u32 v3, v4;
	_ =	sdelay $0x1  }
0x57: {  	v6 =	vpop (erf)  }
0x58: {  	v5 =	vmul.f32 v6, v5;
	_ =	sdelay $0x1  }
0x59: {  	[tilespmem:v4+s20+$0x0] =	vst.idx.msk $0xffff, v5  }
0x5a: {  	v5 =	vld [tilespmem:s26+$0x0];
	_ =	sdelay $0x1  }
0x5b: {  	v7 =	vor.u32 $0x1, v4;
	_ =	sdelay $0x2  }
0x5c: {  	v5 =	vmul.f32 v5, v6;
	_ =	sdelay $0x1  }
0x5d: {  	[tilespmem:v7+s20+$0x0] =	vst.idx.msk $0xffff, v5  }
0x5e: {  	v5 =	vld [tilespmem:s7+$0x0];
	_ =	sdelay $0x1  }
.Ltmp1:
0x5f: {  	v4 =	vor.u32 $0x2, v4;
	(pc) =	sbr.rel @p0 .LBB2_5-.Ltmp1, $3  }
0x60: {  	_ =	sdelay $0x1  }
0x61: {  	v5 =	vmul.f32 v5, v6  }
0x62: {  	s7 =	sadd.s32 $0x10, s7  }
0x63: {  	_ =	sdelay $0x1  }
0x64: {  	s25 =	smul.u32 $0xFA0, s24;
	_ =	sdelay $0x1  }
0x65: {  	[tilespmem:v4+s20+$0x0] =	vst.idx.msk $0xffff, v5;
	p0 =	seq.s32 s24, $0x18;
	s7 =	sadd.s32 s25, s15  }
0x66: {  	[hbm4b:s7+s4] =	stream.linear.scatter [tilespmem:s20], [sflag:$0x3], $0x3E80, $0x38;
	[tilespmem:$0xBB80] =	vst v63  }
0x67: {  	s7 =	sadd.s32 @!p0 s25, s16  }
0x68: {  	s7 =	sshrl.u32 @!p0 s7, $0x3  }
0x69: {  	s26 =	simm.s32 @!p0 $0x0;
	s8 =	sadd.s32 @!p0 s1, s7  }
0x6a: {  	[tilespmem:s26], [sflag:$0x1] =	stream.linear.gather @!p0 [hbm4b:s8+s26], $0x7D0, $0x38;
	[tilespmem:$0xBB80] =	vst v63  }
0x6b: {  	s28 =	simm.s32 @!p0 $0xFA0;
	s8 =	sadd.s32 @!p0 s5, s7  }
0x6c: {  	[tilespmem:s28], [sflag:$0x1] =	stream.linear.gather @!p0 [hbm4b:s8+s26], $0x7D0, $0x38;
	[tilespmem:$0xBB80] =	vst v63  }
0x6d: {  	s8 =	sadd.s32 @!p0 s6, s7;
	s28 =	simm.s32 @!p0 $0x1F40  }
0x6e: {  	[tilespmem:s28], [sflag:$0x1] =	stream.linear.gather @!p0 [hbm4b:s8+s26], $0x7D0, $0x38;
	[tilespmem:$0xBB80] =	vst v63  }
0x6f: {  	s7 =	sadd.s32 @!p0 s3, s7;
	s8 =	simm.s32 @!p0 $0x2EE0  }
0x70: {  	[tilespmem:s8], [sflag:$0x1] =	stream.linear.gather @!p0 [hbm4b:s7+s26], $0x7D0, $0x38;
	[tilespmem:$0xBB80] =	vst v63  }
0x71: {  	_ =	swait.ge [sflag:s31], $0x7D0  }
0x72: {  	[sflag:s31] =	ssyncset.done $0x0  }
0x73: {  	[sflag:s31] =	ssyncadd.s32 $0xFFFFF830  }
0x74: {  	_ =	swait.ge [sflag:s31], $0x7D0  }
0x75: {  	[sflag:s31] =	ssyncset.done $0x0  }
0x76: {  	[sflag:s31] =	ssyncadd.s32 $0xFFFFF830  }
0x77: {  	_ =	swait.ge [sflag:s31], $0x7D0  }
0x78: {  	[sflag:s31] =	ssyncset.done $0x0  }
0x79: {  	[sflag:s31] =	ssyncadd.s32 $0xFFFFF830  }
0x7a: {  	_ =	swait.ge [sflag:s31], $0x7D0  }
0x7b: {  	[sflag:s31] =	ssyncset.done $0x0  }
0x7c: {  	s7 =	simm.s32 @!p1 $0x4;
	[sflag:s31] =	ssyncadd.s32 $0xFFFFF830  }
0x7d: {  	_ =	swait.ge @!p1 [sflag:s7], $0x3E80  }
0x7e: {  	[sflag:s7] =	ssyncset.done @!p1 $0x0  }
0x7f: {  	s26 =	simm.s32 $0x7D0;
	[sflag:s7] =	ssyncadd.s32 @!p1 $0xFFFFC180  }
0x80: {  	v4 =	vld [tilespmem:s26+$0x0];
	_ =	sdelay $0x4  }
0x81: {  	v4 =	vmax.f32 v4, $9.999999740e-06  }
0x82: {  	(erf) = vrcp.f32 v4;
	_ =	sdelay $0x3  }
0x83: {  	s28 =	simm.s32 $0x1770;
	s8 =	simm.s32 $0x0  }
0x84: {  	v5 =	vld [tilespmem:s28+$0x0];
	v4 =	vmov s8  }
0x85: {  	v4 =	vshll.u32 v4, $0x3  }
0x86: {  	v4 =	vor.u32 v3, v4;
	_ =	sdelay $0x1  }
0x87: {  	v6 =	vpop (erf)  }
0x88: {  	v5 =	vmul.f32 v6, v5;
	_ =	sdelay $0x1  }
0x89: {  	s29 =	simm.s32 $0x2710;
	[tilespmem:v4+s21+$0x0] =	vst.idx.msk $0xffff, v5  }
0x8a: {  	v5 =	vld [tilespmem:s29+$0x0];
	_ =	sdelay $0x1  }
0x8b: {  	v7 =	vor.u32 $0x1, v4;
	_ =	sdelay $0x2  }
0x8c: {  	v5 =	vmul.f32 v5, v6;
	_ =	sdelay $0x1  }
0x8d: {  	s9 =	simm.s32 $0x36B0;
	[tilespmem:v7+s21+$0x0] =	vst.idx.msk $0xffff, v5  }
0x8e: {  	v5 =	vld [tilespmem:s9+$0x0];
	_ =	sdelay $0x1  }
0x8f: {  	v4 =	vor.u32 $0x2, v4;
	_ =	sdelay $0x2  }
0x90: {  	v5 =	vmul.f32 v5, v6  }
0x91: {  	s24 =	sadd.s32 $0x1, s24;
	s7 =	simm.s32 $0x10;
	s8 =	simm.s32 $0x36C0  }
.LBB2_7:
0x92: {  	[tilespmem:v4+s21+$0x0] =	vst.idx.msk $0xffff, v5;
	s26 =	sadd.s32 $0x10, s26;
	s28 =	sadd.s32 $0x10, s28;
	s29 =	sadd.s32 $0x10, s29  }
0x93: {  	p1 =	sne.s32 s7, $0x7C0;
	s9 =	smov.u32 s7;
	s7 =	sadd.s32 $0x10, s7;
	v4 =	vld [tilespmem:s26+$0x0]  }
0x94: {  	_ =	sdelay $0x3  }
0x95: {  	v4 =	vmax.f32 v4, $9.999999740e-06  }
0x96: {  	(erf) = vrcp.f32 v4;
	_ =	sdelay $0x4  }
0x97: {  	v4 =	vmov s9;
	v5 =	vld [tilespmem:s28+$0x0]  }
0x98: {  	v4 =	vshll.u32 v4, $0x3  }
0x99: {  	v4 =	vor.u32 v3, v4;
	_ =	sdelay $0x1  }
0x9a: {  	v6 =	vpop (erf)  }
0x9b: {  	v5 =	vmul.f32 v6, v5;
	_ =	sdelay $0x1  }
0x9c: {  	[tilespmem:v4+s21+$0x0] =	vst.idx.msk $0xffff, v5  }
0x9d: {  	v5 =	vld [tilespmem:s29+$0x0];
	_ =	sdelay $0x1  }
0x9e: {  	v7 =	vor.u32 $0x1, v4;
	_ =	sdelay $0x2  }
0x9f: {  	v5 =	vmul.f32 v5, v6;
	_ =	sdelay $0x1  }
0xa0: {  	[tilespmem:v7+s21+$0x0] =	vst.idx.msk $0xffff, v5  }
0xa1: {  	v5 =	vld [tilespmem:s8+$0x0];
	_ =	sdelay $0x1  }
.Ltmp2:
0xa2: {  	v4 =	vor.u32 $0x2, v4;
	(pc) =	sbr.rel @p1 .LBB2_7-.Ltmp2, $3  }
0xa3: {  	_ =	sdelay $0x1  }
0xa4: {  	v5 =	vmul.f32 v5, v6  }
0xa5: {  	s8 =	sadd.s32 $0x10, s8  }
0xa6: {  	_ =	sdelay $0x3  }
0xa7: {  	[tilespmem:v4+s21+$0x0] =	vst.idx.msk $0xffff, v5;
	s7 =	sadd.s32 s25, s17  }
0xa8: {  	[hbm4b:s7+s4] =	stream.linear.scatter [tilespmem:s21], [sflag:$0x4], $0x3E80, $0x38;
	[tilespmem:$0xBB80] =	vst v63  }
0xa9: {  	s7 =	sadd.s32 @!p0 s25, s18  }
0xaa: {  	s7 =	sshrl.u32 @!p0 s7, $0x3  }
0xab: {  	s9 =	simm.s32 @!p0 $0x0;
	s25 =	simm.s32 @!p0 $0x7D0;
	s8 =	sadd.s32 @!p0 s1, s7  }
0xac: {  	[tilespmem:s25], [sflag:$0x2] =	stream.linear.gather @!p0 [hbm4b:s8+s9], $0x7D0, $0x38;
	[tilespmem:$0xBB80] =	vst v63  }
0xad: {  	s8 =	sadd.s32 @!p0 s5, s7;
	s25 =	simm.s32 @!p0 $0x1770  }
0xae: {  	[tilespmem:s25], [sflag:$0x2] =	stream.linear.gather @!p0 [hbm4b:s8+s9], $0x7D0, $0x38;
	[tilespmem:$0xBB80] =	vst v63  }
0xaf: {  	s8 =	sadd.s32 @!p0 s6, s7;
	s25 =	simm.s32 @!p0 $0x2710  }
0xb0: {  	[tilespmem:s25], [sflag:$0x2] =	stream.linear.gather @!p0 [hbm4b:s8+s9], $0x7D0, $0x38;
	[tilespmem:$0xBB80] =	vst v63  }
0xb1: {  	p1 =	sne.s32 @!p0 s24, $0x19;
	s7 =	sadd.s32 @!p0 s3, s7;
	s8 =	simm.s32 @!p0 $0x36B0  }
0xb2: {  	[tilespmem:s8], [sflag:$0x2] =	stream.linear.gather @!p0 [hbm4b:s7+s9], $0x7D0, $0x38;
	[tilespmem:$0xBB80] =	vst v63  }
0xb3: {  	p0 =	por p0, !p1  }
.Ltmp3:
0xb4: {  	_ = 	snop;
	(pc) =	sbr.rel @!p0 .LBB2_4-.Ltmp3, $1  }
0xb5: {  	_ =	sdelay $0x3  }
0xb6: {  	s22 =	sadd.s32 $0x1, s22  }
0xb7: {  	_ =	swait.ge [sflag:s0], $0x3E80;
	p0 =	sne.s32 s22, s19  }
.Ltmp4:
0xb8: {  	[sflag:s0] =	ssyncset.done $0x0;
	(pc) =	sbr.rel @p0 .LBB2_1-.Ltmp4, $4  }
0xb9: {  	[sflag:s0] =	ssyncadd.s32 $0xFFFFC180  }
0xba: {  	_ =	swait.ge [sflag:s2], $0x3E80  }
0xbb: {  	[sflag:s2] =	ssyncset.done $0x0  }
0xbc: {  	[sflag:s2] =	ssyncadd.s32 $0xFFFFC180  }
0xbd: {  	_ =	sfence.sel $0x180000  }
0xbe: {  	[bflag:$0x0] =	sbarrier.arrive $0xFFFF  }
0xbf: {  	_ =	strace $0x90000047  }
0xc0: {  	s0 =	stileid.u32;
	[bflag:$0x2] =	sbarrier.arrive $0xFFFF  }
0xc1: {  	p0 =	sne.s32 s0, $0x0;
	s0 =	rddreg [dreg:$0x3]  }
0xc2: {  	s0 =	sadd.s32 @!p0 $0x100000, s0  }
0xc3: {  	[sflag:s0] =	ssyncadd.tile.s32 @!p0 $0x1;
	_ =	shalt  }
.Lfunc_end2:
_tile_overlayer_lowered:
.L_overlay_start_2:
0xc4: {  	(tag) =	ssettag $0x2  }
0xc5: {  	s0 =	rddreg [dreg:$0x0];
	s2 =	stileid.u32  }
0xc6: {  	s1 =	rddreg [dreg:$0x1];
	p0 =	sne.s32 s2, $0x0  }
0xc7: {  	s3 =	rddreg [dreg:$0x2];
	[bflag:$0x3] =	sbarrier.arrive $0xFFFF;
	s2 =	simm.s32 @!p0 $0x1C05  }
0xc8: {  	[timem:s3], [sflag:s2] =	dma.local @!p0 [hbm:s0], s1  }
0xc9: {  	s0 =	simm.s32 @!p0 $0x5  }
0xca: {  	_ =	swait.ge @!p0 [sflag:s0], s1  }
0xcb: {  	s1 =	ssub.s32 @!p0 $0x0, s1;
	[sflag:s0] =	ssyncset.done @!p0 $0x0  }
0xcc: {  	[sflag:s0] =	ssyncadd.s32 @!p0 s1  }
0xcd: {  	[bflag:$0x3] =	sbarrier.arrive $0xFFFF  }
0xce: {  	_ =	shalt  }

// kernel: kernel.7.cloned.1.call-start
scs
__scs_entry_jumppad:
0x0: {  	(pc) =	sbr.rel $0x88, $3  }
0x1: {  	(tag) =	ssettag $0x0;
	lr =	simm.s32 $0x1  }
0x2: {  	[smem:$0x3F9D] =	sst lr;
	_ =	strace $0xD0000000  }
0x3: {  	_ = 	snop  }
0x4: {  	_ = 	snop  }
0x5: {  	_ = 	snop  }
0x6: {  	_ = 	snop  }
0x7: {  	_ = 	snop  }
__scs_overlays_trampoline_lowered:
0x8: {  	[smem:$0x3FAC] =	sst s0  }
0x9: {  	[smem:$0x3FAD] =	sst s1  }
0xa: {  	[smem:$0x3FAE] =	sst s2  }
0xb: {  	[smem:$0x3FAF] =	sst s3  }
0xc: {  	[smem:$0x3FB0] =	sst s4  }
0xd: {  	[smem:$0x3FB1] =	sst s5  }
0xe: {  	[smem:$0x3FB2] =	sst s6  }
0xf: {  	[smem:$0x3FB3] =	sst s7  }
0x10: {  	[smem:$0x3FB4] =	sst s8  }
0x11: {  	[smem:$0x3FB5] =	sst s9;
	s0 =	simm.s32 @!p0 $0x0  }
0x12: {  	s1 =	sld [smem:$0x3F9B];
	s0 =	simm.s32 @p0 $0x1  }
0x13: {  	[smem:$0x3FB6] =	sst s0;
	s0 =	simm.s32 @!p1 $0x0  }
0x14: {  	s2 =	sld [smem:$0x3F9A];
	s0 =	simm.s32 @p1 $0x1  }
0x15: {  	[smem:$0x3FB7] =	sst s0;
	s0 =	simm.s32 @!p2 $0x0  }
0x16: {  	s3 =	sld [smem:$0x3FDB];
	s0 =	simm.s32 @p2 $0x1  }
0x17: {  	s4 =	simm.s32 $0x1BF5;
	[smem:$0x3FB9] =	sst s0  }
0x18: {  	s0 =	sld [smem:$0x3F9C];
	_ =	swait.ge [sflag:s4], $0x0  }
0x19: {  	s7 =	sld [smem:$0x3F9D]  }
0x1a: {  	s8 =	sadd.s32 $0xFFFFE003, lr  }
0x1b: {  	s9 =	sadd.s32 $0xFFFFFEF7, lr;
	s5 =	simm.s32 $0xFFFFFFFF;
	p2 =	slt.u32 s8, $0xFFFFF086  }
0x1c: {  	p1 =	slt.u32 s9, $0xF7A;
	s5 =	simm.s32 @!p2 $0x0  }
0x1d: {  	s5 =	simm.s32 @p1 $0x1;
	p0 =	seq.s32 s7, s2  }
0x1e: {  	s7 =	smul.u32 @!p0 $0xF7A, s2;
	p2 =	seq.s32 @!p0 s5, $0x0  }
0x1f: {  	s9 =	smul.u32 $0xF7A, s1;
	s8 =	simm.s32 @!p0 $0x1BF5;
	p2 =	por !p2, p0  }
0x20: {  	[sflag:s8] =	ssyncset.s32 @!p0 $0xFFFFF086;
	s6 =	sadd.s32 @!p0 s3, s7;
	s7 =	simm.s32 @!p0 $0x108  }
0x21: {  	s3 =	sadd.s32 s3, s9;
	s6 =	sadd.s32 @!p0 $0x88, s6;
	s7 =	simm.s32 @p2 $0x1082  }
0x22: {  	[simem:s7], [sflag:s8] =	dma.local @!p0 [hbm:s6], $0xF7A  }
0x23: {  	s9 =	sor.u32 $0xD0000000, s2;
	s6 =	simm.s32 $0x108;
	_ =	swait.ge @!p0 [sflag:s8], $0x0  }
0x24: {  	s3 =	sadd.s32 $0x88, s3;
	s6 =	simm.s32 @!p1 $0x1082;
	[sflag:s4] =	ssyncset.s32 $0xFFFFF086  }
0x25: {  	[simem:s6], [sflag:s4] =	dma.local [hbm:s3], $0xF7A  }
0x26: {  	[smem:$0x3F9D] =	sst s1;
	(tag) =	ssettag s2;
	_ =	strace s9  }
0x27: {  	s1 =	sld [smem:$0x3FAD]  }
0x28: {  	s2 =	sld [smem:$0x3FAE]  }
0x29: {  	s4 =	sld [smem:$0x3FB0]  }
0x2a: {  	p0 =	seq.s32 s5, $0x0;
	s5 =	sld [smem:$0x3FB1]  }
0x2b: {  	s6 =	sld [smem:$0x3FB2]  }
0x2c: {  	s7 =	sld [smem:$0x3FB3]  }
0x2d: {  	s3 =	simm.s32 $0x108;
	s8 =	sld [smem:$0x3FB4]  }
0x2e: {  	s3 =	simm.s32 @!p0 $0x1082;
	s9 =	sld [smem:$0x3FB5]  }
0x2f: {  	lr =	sadd.s32 s0, s3;
	s0 =	sld [smem:$0x3FAC]  }
0x30: {  	s3 =	sld [smem:$0x3FAF]  }
0x31: {  	[smem:$0x3FB8] =	sst s10  }
0x32: {  	s10 =	sld [smem:$0x3FB6];
	_ =	sdelay $0x3  }
0x33: {  	p0 =	seq.s32 s10, $0x1;
	s10 =	sld [smem:$0x3FB8];
	_ =	sdelay $0x3  }
0x34: {  	[smem:$0x3FB8] =	sst s10  }
0x35: {  	s10 =	sld [smem:$0x3FB7];
	_ =	sdelay $0x3  }
0x36: {  	p1 =	seq.s32 s10, $0x1;
	s10 =	sld [smem:$0x3FB8];
	_ =	sdelay $0x3  }
0x37: {  	[smem:$0x3FB8] =	sst s10  }
0x38: {  	s10 =	sld [smem:$0x3FB9]  }
0x39: {  	_ = 	snop;
	(pc) =	sbr.ind lr, $3  }
0x3a: {  	_ = 	snop  }
0x3b: {  	_ = 	snop  }
0x3c: {  	p2 =	seq.s32 s10, $0x1;
	s10 =	sld [smem:$0x3FB8]  }
0x3d: {  	_ =	shalt  }
0x3e: {  	_ =	shalt  }
0x3f: {  	_ =	shalt  }
0x40: {  	_ =	shalt  }
0x41: {  	_ =	shalt  }
0x42: {  	_ =	shalt  }
0x43: {  	_ =	shalt  }
0x44: {  	_ =	shalt  }
0x45: {  	_ =	shalt  }
0x46: {  	_ =	shalt  }
0x47: {  	_ =	shalt  }
0x48: {  	_ =	shalt  }
0x49: {  	_ =	shalt  }
0x4a: {  	_ =	shalt  }
0x4b: {  	_ =	shalt  }
0x4c: {  	_ =	shalt  }
0x4d: {  	_ =	shalt  }
0x4e: {  	_ =	shalt  }
0x4f: {  	_ =	shalt  }
0x50: {  	_ =	shalt  }
0x51: {  	_ =	shalt  }
0x52: {  	_ =	shalt  }
0x53: {  	_ =	shalt  }
0x54: {  	_ =	shalt  }
0x55: {  	_ =	shalt  }
0x56: {  	_ =	shalt  }
0x57: {  	_ =	shalt  }
0x58: {  	_ =	shalt  }
0x59: {  	_ =	shalt  }
0x5a: {  	_ =	shalt  }
0x5b: {  	_ =	shalt  }
0x5c: {  	_ =	shalt  }
0x5d: {  	_ =	shalt  }
0x5e: {  	_ =	shalt  }
0x5f: {  	_ =	shalt  }
0x60: {  	_ =	shalt  }
0x61: {  	_ =	shalt  }
0x62: {  	_ =	shalt  }
0x63: {  	_ =	shalt  }
0x64: {  	_ =	shalt  }
0x65: {  	_ =	shalt  }
0x66: {  	_ =	shalt  }
0x67: {  	_ =	shalt  }
0x68: {  	_ =	shalt  }
0x69: {  	_ =	shalt  }
0x6a: {  	_ =	shalt  }
0x6b: {  	_ =	shalt  }
0x6c: {  	_ =	shalt  }
0x6d: {  	_ =	shalt  }
0x6e: {  	_ =	shalt  }
0x6f: {  	_ =	shalt  }
0x70: {  	_ =	shalt  }
0x71: {  	_ =	shalt  }
0x72: {  	_ =	shalt  }
0x73: {  	_ =	shalt  }
0x74: {  	_ =	shalt  }
0x75: {  	_ =	shalt  }
0x76: {  	_ =	shalt  }
0x77: {  	_ =	shalt  }
0x78: {  	_ =	shalt  }
0x79: {  	_ =	shalt  }
0x7a: {  	_ =	shalt  }
0x7b: {  	_ =	shalt  }
0x7c: {  	_ =	shalt  }
0x7d: {  	_ =	shalt  }
0x7e: {  	_ =	shalt  }
0x7f: {  	_ =	shalt  }
0x80: {  	_ =	shalt  }
0x81: {  	_ =	shalt  }
0x82: {  	_ =	shalt  }
0x83: {  	_ =	shalt  }
0x84: {  	_ =	shalt  }
0x85: {  	_ =	shalt  }
0x86: {  	_ =	shalt  }
0x87: {  	_ =	shalt  }
.Lfunc_end0:
.L_simem_size_0:
called_computation.1_lowered:
.L_overlay_start_0:
0x88: {  	s2 =	sld [smem:$0x3FD9]  }
0x89: {  	s3 =	sld [smem:$0x3FFE];
	_ =	sdelay $0x1  }
0x8a: {  	s1 =	srdreg.scid  }
0x8b: {  	s0 =	sand.u32 $0x1, s1  }
0x8c: {  	s17 =	sshll.u32 s0, $0xA;
	s2 =	sadd.s32 s3, s2  }
0x8d: {  	s2 =	sadd.s32 s2, s17  }
0x8e: {  	[smem:$0x3FC4] =	sst s2  }
0x8f: {  	_ = 	snop  }
0x90: {  	s2 =	sld [smem:$0x3FC7]  }
0x91: {  	s18 =	sld [smem:$0x3FC6]  }
0x92: {  	s4 =	sld [smem:$0x3FD0];
	(tm) =	ssettm $0x1  }
0x93: {  	s5 =	sld [smem:$0x3FFB];
	_ =	sdelay $0x3  }
0x94: {  	_ =	strace s5  }
0x95: {  	s5 =	sld [smem:$0x3FFC];
	_ =	sdelay $0x3  }
0x96: {  	_ =	strace s5  }
0x97: {  	s5 =	sld [smem:$0x3FFD];
	_ =	sdelay $0x3  }
0x98: {  	_ =	strace s5  }
0x99: {  	_ =	strace $0x8FFFFFFF  }
0x9a: {  	s19 =	sld [smem:$0x3FDB];
	_ =	sdelay $0x1  }
0x9b: {  	s6 =	simm.s32 $_scs_section_size  }
0x9c: {  	s7 =	simm.s32 $_size__tile_overlayer_lowered;
	s8 =	simm.s32 $_tile_overlayer_lowered  }
0x9d: {  	s22 =	simm.s32 $0x1BFF;
	s21 =	sshll.u32 s8, $0x1;
	s5 =	sadd.s32 s6, s19  }
0x9e: {  	s9 =	simm.s32 $0x0;
	s20 =	sshll.u32 s7, $0x1;
	s7 =	sadd.s32 s21, s5  }
0x9f: {  	[timem:s9], [sflag:s22] =	dma.local [hbm:s7], s20  }
0xa0: {  	_ =	swait.ge [sflag:s22], s20  }
0xa1: {  	s6 =	ssub.s32 $0x0, s20;
	[sflag:s22] =	ssyncset.done $0x0  }
0xa2: {  	[sflag:s22] =	ssyncadd.s32 s6;
	_ =	sdelay $0x1  }
0xa3: {  	s23 =	simm.s32 $0x1B8B  }
0xa4: {  	_ =	swait.ge [sflag:s23], $0x1  }
0xa5: {  	[sflag:s23] =	ssyncset.done $0x0  }
0xa6: {  	s25 =	simm.s32 $0x1B8E;
	s24 =	sld [smem:$0x3FFE];
	[sflag:s23] =	ssyncadd.s32 $0xFFFFFFFF  }
0xa7: {  	s26 =	simm.s32 $execute0_lowered;
	[smem:$0x3FD2] =	sst s25  }
0xa8: {  	s7 =	sshll.u32 s26, $0x1;
	_ =	strace $0x80000049;
	[dreg:$0x1] =	wrdreg $0xFFFFFFFF  }
0xa9: {  	s28 =	simm.s32 $_size_execute0_lowered;
	s5 =	sadd.s32 s5, s7;
	[dreg:$0x0] =	wrdreg $0x0  }
0xaa: {  	s7 =	sshll.u32 s28, $0x1;
	[dreg:$0x2] =	wrdreg s5  }
0xab: {  	[dreg:$0x3] =	wrdreg s7  }
0xac: {  	[dreg:$0x4] =	wrdreg $0xC0  }
0xad: {  	_ =	task [dreg:s9], $0x5FFFF  }
0xae: {  	[dreg:$0x1] =	wrdreg $0xFFFFFFFF  }
0xaf: {  	[dreg:$0x0] =	wrdreg $0x60  }
0xb0: {  	[dreg:$0x2] =	wrdreg s24  }
0xb1: {  	[dreg:$0x3] =	wrdreg s2  }
0xb2: {  	[dreg:$0x4] =	wrdreg s18  }
0xb3: {  	[dreg:$0x5] =	wrdreg s4  }
0xb4: {  	[dreg:$0x6] =	wrdreg $0x9  }
0xb5: {  	_ =	task.clear_ibuf [dreg:s9], $0x7FFFF;
	_ =	strace $0x90000049  }
0xb6: {  	s29 =	simm.s32 $0x9;
	_ =	strace $0x8000004B  }
0xb7: {  	_ =	swait.ge [sflag:s29], $0x1  }
0xb8: {  	[sflag:s29] =	ssyncadd.s32 $0xFFFFFFFF  }
0xb9: {  	_ =	strace $0x9000004B  }
0xba: {  	_ =	sfence  }
0xbb: {  	s30 =	sld [smem:$0x0];
	_ =	sdelay $0x2  }
0xbc: {  	s31 =	sshll.u32 s1, $0xD;
	s1 =	sshrl.u32 s1, $0x2  }
0xbd: {  	s3 =	sand.u32 $0x4000, s31;
	s1 =	sadd.s32 s1, s30  }
0xbe: {  	s0 =	sor.u32 s3, s0;
	s1 =	sshll.u32 s1, $0x11  }
0xbf: {  	s0 =	sor.u32 s1, s0  }
0xc0: {  	s0 =	sadd.s32 $0x8F2B, s0  }
0xc1: {  	[sflag:s0] =	ssyncadd.remote.s32 $0x1  }
0xc2: {  	_ =	sfence.sel $0xFFFF  }
0xc3: {  	[dreg:$0x0] =	wrdreg $0xFFFFFFFF;
	(pc) =	sbr.abs _section_cstart, $3  }
0xc4: {  	[dreg:$0x1] =	wrdreg $0xFFFFFFFF  }
0xc5: {  	_ =	task.clear_ibuf [dreg:s9], $0x2FFFF;
	_ =	strace $0x9FFFFFFF  }
0xc6: {  	(tm) =	ssettm $0x7FFFFFFF  }
0xc7: {  	_ =	shalt  }
tec
execute0_lowered:
.L_overlay_start_1:
0x0: {  	(tag) =	ssettag $0x1  }
0x1: {  	s0 =	rddreg [dreg:$0x0]  }
0x2: {  	s1 =	rddreg [dreg:$0x1]  }
0x3: {  	s3 =	rddreg [dreg:$0x2];
	s2 =	srdreg.scid  }
0x4: {  	s5 =	stileid.u32;
	s4 =	rddreg [dreg:$0x3]  }
0x5: {  	s16 =	simm.s32 $0xFA0;
	s17 =	simm.s32 $0x1;
	s18 =	simm.s32 $0x7D0  }
0x6: {  	s19 =	simm.s32 $0x1F40;
	s20 =	simm.s32 $0x9C40;
	s21 =	simm.s32 $0x1770  }
0x7: {  	s22 =	simm.s32 $0x2;
	s28 =	simm.s32 $0x4;
	s29 =	simm.s32 $0x12110  }
0x8: {  	s30 =	simm.s32 $0x5;
	s2 =	sand.u32 $0x1, s2;
	s6 =	sshll.u32 s5, $0x1  }
0x9: {  	s31 =	simm.s32 $0x6;
	s5 =	simm.s32 $0x0;
	s6 =	sor.u32 s2, s6  }
0xa: {  	[smem:$0x7FF] =	sst s5;
	s2 =	ssub.s32 $0x2, s2;
	s6 =	smul.u32 $0x61A80, s6  }
0xb: {  	s7 =	sadd.s32 $0xC4200, s0;
	_ =	strace $0x8000004A;
	s23 =	sshrl.u32 s2, $0x1  }
0xc: {  	s0 =	ssub.s32 s2, s23;
	s23 =	simm.s32 $0x5DC0;
	s24 =	sshrl.u32 s6, $0x3  }
0xd: {  	s8 =	sadd.s32 $0x7D0, s6;
	s13 =	sadd.s32 $0xFA0, s6;
	s0 =	smax.u32 s0, $0x1  }
0xe: {  	s14 =	sadd.s32 $0x1770, s6;
	s9 =	sadd.s32 s1, s24;
	[dreg:$0x9] =	wrdreg s0  }
0xf: {  	s2 =	sadd.s32 s3, s24;
	s25 =	sshrl.u32 s8, $0x3;
	[dreg:$0x5] =	wrdreg s9  }
0x10: {  	s24 =	simm.s32 $0xDAC0;
	[dreg:$0x6] =	wrdreg s2;
	s26 =	sadd.s32 s1, s25  }
0x11: {  	v0 =	vlaneseq.u32;
	s2 =	sadd.s32 s3, s25;
	s25 =	simm.s32 $0x3;
	[dreg:$0x7] =	wrdreg s26  }
0x12: {  	v0 =	vmul.u32 $0x8, v0;
	[dreg:$0x8] =	wrdreg s2;
	s26 =	simm.s32 $0x11940;
	s2 =	simm.s32 $0x0  }
.LBB2_1:
0x13: {  	s0 =	rddreg [dreg:$0x5]  }
0x14: {  	[tilespmem:s5], [sflag:$0x1] =	stream.linear.gather [hbm4b:s0+s5], $0x7D0, $0x38;
	[tilespmem:$0x128E0] =	vst v63  }
0x15: {  	s11 =	rddreg [dreg:$0x6]  }
0x16: {  	[tilespmem:s16], [sflag:$0x1] =	stream.linear.gather [hbm4b:s11+s5], $0x7D0, $0x38;
	[tilespmem:$0x128E0] =	vst v63  }
0x17: {  	_ =	swait.ge [sflag:s17], $0x7D0  }
0x18: {  	[sflag:s17] =	ssyncset.done $0x0  }
0x19: {  	[sflag:s17] =	ssyncadd.s32 $0xFFFFF830  }
0x1a: {  	_ =	swait.ge [sflag:s17], $0x7D0  }
0x1b: {  	[sflag:s17] =	ssyncset.done $0x0  }
0x1c: {  	[sflag:s17] =	ssyncadd.s32 $0xFFFFF830  }
0x1d: {  	[tilespmem:s19], [sflag:$0x3] =	stream.indirect.gather [hbm4b:s7+s18], $0x8, s5, s18, $0xb8;
	[tilespmem:$0x128E0] =	vst v63  }
0x1e: {  	_ = 	snop  }
0x1f: {  	[tilespmem:s20], [sflag:$0x3] =	stream.indirect.gather [hbm4b:s7+s18], $0x8, s16, s18, $0xb8;
	[tilespmem:$0x128E0] =	vst v63  }
0x20: {  	s12 =	rddreg [dreg:$0x7]  }
0x21: {  	[tilespmem:s18], [sflag:$0x2] =	stream.linear.gather [hbm4b:s12+s5], $0x7D0, $0x38;
	[tilespmem:$0x128E0] =	vst v63  }
0x22: {  	s9 =	simm.s32 $0x0;
	s15 =	rddreg [dreg:$0x8]  }
0x23: {  	[tilespmem:s21], [sflag:$0x2] =	stream.linear.gather [hbm4b:s15+s5], $0x7D0, $0x38;
	[tilespmem:$0x128E0] =	vst v63  }
.LBB2_2:
0x24: {  	_ =	swait.ge [sflag:s22], $0x7D0  }
0x25: {  	[sflag:s22] =	ssyncset.done $0x0  }
0x26: {  	[sflag:s22] =	ssyncadd.s32 $0xFFFFF830  }
0x27: {  	_ =	swait.ge [sflag:s22], $0x7D0  }
0x28: {  	[sflag:s22] =	ssyncset.done $0x0  }
0x29: {  	[sflag:s22] =	ssyncadd.s32 $0xFFFFF830  }
0x2a: {  	[tilespmem:s23], [sflag:$0x4] =	stream.indirect.gather [hbm4b:s7+s18], $0x8, s18, s18, $0xb8;
	[tilespmem:$0x128E0] =	vst v63  }
0x2b: {  	_ = 	snop  }
0x2c: {  	[tilespmem:s24], [sflag:$0x4] =	stream.indirect.gather [hbm4b:s7+s18], $0x8, s21, s18, $0xb8;
	[tilespmem:$0x128E0] =	vst v63  }
0x2d: {  	_ =	swait.ge [sflag:s25], $0x3E80  }
0x2e: {  	p0 =	seq.s32 s9, $0x0;
	[sflag:s25] =	ssyncset.done $0x0  }
0x2f: {  	p1 =	seq.s32 @!p0 s9, $0x63;
	[sflag:s25] =	ssyncadd.s32 $0xFFFFC180  }
0x30: {  	p1 =	por p0, !p1;
	_ =	swait.ge [sflag:s25], $0x3E80  }
.Ltmp0:
0x31: {  	[sflag:s25] =	ssyncset.done $0x0;
	(pc) =	sbr.rel @p1 .LBB2_4-.Ltmp0, $4  }
0x32: {  	s0 =	simm.s32 @!p0 $0x5;
	[sflag:s25] =	ssyncadd.s32 $0xFFFFC180  }
0x33: {  	_ =	swait.ge @!p0 [sflag:s0], $0x7D0  }
0x34: {  	[sflag:s0] =	ssyncset.done @!p0 $0x0  }
0x35: {  	[sflag:s0] =	ssyncadd.s32 @!p0 $0xFFFFF830  }
.Ltmp1:
0x36: {  	(pc) =	sbr.rel .LBB2_5-.Ltmp1, $2  }
0x37: {  	_ =	sdelay $0x2  }
0x38: {  	s0 =	simm.s32 @!p0 $0x64;
	p1 =	por @!p0 $0x1, $0x1  }
.LBB2_4:
0x39: {  	s0 =	smul.u32 $0xFA0, s9;
	_ =	sdelay $0x1  }
0x3a: {  	s0 =	sadd.s32 s0, s13  }
0x3b: {  	s0 =	sshrl.u32 s0, $0x3  }
0x3c: {  	s10 =	sadd.s32 s1, s0  }
0x3d: {  	[tilespmem:s5], [sflag:$0x1] =	stream.linear.gather [hbm4b:s10+s5], $0x7D0, $0x38;
	[tilespmem:$0x128E0] =	vst v63  }
0x3e: {  	s0 =	sadd.s32 s3, s0  }
0x3f: {  	[tilespmem:s16], [sflag:$0x1] =	stream.linear.gather [hbm4b:s0+s5], $0x7D0, $0x38;
	[tilespmem:$0x128E0] =	vst v63  }
0x40: {  	s0 =	sadd.s32 @!p0 $0x1, s9  }
0x41: {  	p1 =	por $0x0, $0x0;
	s0 =	simm.s32 @p0 $0x1  }
.LBB2_5:
0x42: {  	s10 =	simm.s32 $0x0  }
0x43: {  	v1 =	vmov s10  }
0x44: {  	v1 =	vshll.u32 v1, $0x3  }
0x45: {  	v1 =	vor.u32 v0, v1;
	_ =	sdelay $0x1  }
0x46: {  	v2 =	vor.u32 $0x1, v1;
	_ =	sdelay $0x1  }
0x47: {  	v3 =	vor.u32 $0x2, v1  }
0x48: {  	v5 =	vld.idx.msk [tilespmem:v1+s20+$0x0], $0xffff  }
0x49: {  	v1 =	vld.idx.msk [tilespmem:v1+s19+$0x0], $0xffff  }
0x4a: {  	v4 =	vld.idx.msk [tilespmem:v2+s20+$0x0], $0xffff  }
0x4b: {  	v2 =	vld.idx.msk [tilespmem:v2+s19+$0x0], $0xffff  }
0x4c: {  	v6 =	vld.idx.msk [tilespmem:v3+s20+$0x0], $0xffff  }
0x4d: {  	v3 =	vld.idx.msk [tilespmem:v3+s19+$0x0], $0xffff;
	_ =	sdelay $0x2  }
0x4e: {  	v1 =	vmul.f32 v5, v1;
	v2 =	vmul.f32 v4, v2;
	_ =	sdelay $0x1  }
0x4f: {  	v1 =	vadd.f32 v2, v1;
	v2 =	vmul.f32 v6, v3;
	_ =	sdelay $0x1  }
0x50: {  	v1 =	vadd.f32 v2, v1;
	_ =	sdelay $0x1  }
0x51: {  	v1 =	vmul.f32 $9.499999880e-01, v1;
	_ =	sdelay $0x1  }
0x52: {  	v2 =	vand.u32 $0x7FFFFFFF, v1  }
0x53: {  	v3 =	vsub.f32 $1.000000000e+00, v2;
	_ =	sdelay $0x1  }
0x54: {  	v3 =	vmax.f32 v3, $0.0e+00  }
0x55: {  	v4 =	vshra.s32 v3, $0x1;
	v5 =	vmul.f32 $5.000000000e-01, v3  }
0x56: {  	v4 =	vsub.s32 $0x5F3759DF, v4  }
0x57: {  	v6 =	vmul.f32 v4, v5;
	_ =	sdelay $0x1  }
0x58: {  	v6 =	vmul.f32 v4, v6;
	_ =	sdelay $0x1  }
0x59: {  	v6 =	vsub.f32 $1.500000000e+00, v6;
	_ =	sdelay $0x1  }
0x5a: {  	v4 =	vmul.f32 v4, v6;
	v6 =	vmul.f32 $-1.872929930e-02, v2;
	_ =	sdelay $0x1  }
0x5b: {  	v5 =	vmul.f32 v4, v5;
	v6 =	vadd.f32 $7.426100220e-02, v6;
	_ =	sdelay $0x1  }
0x5c: {  	v5 =	vmul.f32 v5, v4;
	v6 =	vmul.f32 v6, v2;
	_ =	sdelay $0x1  }
0x5d: {  	v5 =	vsub.f32 $1.500000000e+00, v5;
	v6 =	vadd.f32 $-2.121143940e-01, v6;
	_ =	sdelay $0x1  }
0x5e: {  	v4 =	vmul.f32 v5, v4;
	v5 =	vmul.f32 v6, v2;
	_ =	sdelay $0x1  }
0x5f: {  	s15 =	simm.s32 $0x10;
	v3 =	vmul.f32 v4, v3;
	v4 =	vadd.f32 $1.570728780e+00, v5  }
0x60: {  	v5 =	vmov s15  }
0x61: {  	v5 =	vshll.u32 v5, $0x3;
	v3 =	vmul.f32 v3, v4  }
0x62: {  	v4 =	vor.u32 v0, v5  }
0x63: {  	v5 =	vor.u32 $0x1, v4;
	v6 =	vsub.f32 $3.141592740e+00, v3  }
0x64: {  	vm0 =	vlt.f32 v1, $0.0e+00  }
0x65: {  	vm15 =	vgt.f32 v2, $1.000000000e+00;
	v1 =	vsel vm0, v6, v3  }
0x66: {  	s10 =	simm.s32 $0x11940;
	v1 =	vsel vm15, $0x7FC00000, v1  }
0x67: {  	v2 =	vor.u32 $0x2, v4;
	[tilespmem:s10+$0x0] =	vst v1  }
0x68: {  	v1 =	vld.idx.msk [tilespmem:v5+s20+$0x0], $0xffff  }
0x69: {  	v3 =	vld.idx.msk [tilespmem:v5+s19+$0x0], $0xffff  }
0x6a: {  	v5 =	vld.idx.msk [tilespmem:v4+s20+$0x0], $0xffff  }
0x6b: {  	v4 =	vld.idx.msk [tilespmem:v4+s19+$0x0], $0xffff  }
0x6c: {  	v6 =	vld.idx.msk [tilespmem:v2+s20+$0x0], $0xffff  }
0x6d: {  	v2 =	vld.idx.msk [tilespmem:v2+s19+$0x0], $0xffff;
	_ =	sdelay $0x2  }
0x6e: {  	v4 =	vmul.f32 v5, v4;
	v1 =	vmul.f32 v1, v3;
	_ =	sdelay $0x1  }
0x6f: {  	v2 =	vmul.f32 v6, v2;
	v1 =	vadd.f32 v1, v4;
	_ =	sdelay $0x1  }
0x70: {  	v1 =	vadd.f32 v2, v1;
	_ =	sdelay $0x1  }
0x71: {  	v2 =	vmul.f32 $9.499999880e-01, v1;
	_ =	sdelay $0x1  }
0x72: {  	v1 =	vand.u32 $0x7FFFFFFF, v2  }
0x73: {  	v3 =	vsub.f32 $1.000000000e+00, v1;
	_ =	sdelay $0x1  }
0x74: {  	v3 =	vmax.f32 v3, $0.0e+00  }
0x75: {  	v4 =	vshra.s32 v3, $0x1;
	v5 =	vmul.f32 $5.000000000e-01, v3  }
0x76: {  	v4 =	vsub.s32 $0x5F3759DF, v4  }
0x77: {  	v6 =	vmul.f32 v4, v5;
	_ =	sdelay $0x1  }
0x78: {  	v6 =	vmul.f32 v4, v6;
	_ =	sdelay $0x1  }
0x79: {  	v6 =	vsub.f32 $1.500000000e+00, v6;
	_ =	sdelay $0x1  }
0x7a: {  	v4 =	vmul.f32 v4, v6;
	v6 =	vmul.f32 $-1.872929930e-02, v1;
	_ =	sdelay $0x1  }
0x7b: {  	v5 =	vmul.f32 v4, v5;
	v6 =	vadd.f32 $7.426100220e-02, v6;
	_ =	sdelay $0x1  }
0x7c: {  	v5 =	vmul.f32 v5, v4;
	v6 =	vmul.f32 v6, v1;
	_ =	sdelay $0x1  }
0x7d: {  	v5 =	vsub.f32 $1.500000000e+00, v5;
	v6 =	vadd.f32 $-2.121143940e-01, v6;
	_ =	sdelay $0x1  }
0x7e: {  	v4 =	vmul.f32 v5, v4;
	v5 =	vmul.f32 v6, v1;
	_ =	sdelay $0x1  }
0x7f: {  	s11 =	simm.s32 $0x20;
	v3 =	vmul.f32 v4, v3;
	v4 =	vadd.f32 $1.570728780e+00, v5  }
0x80: {  	v5 =	vmov s11  }
0x81: {  	v6 =	vshll.u32 v5, $0x3;
	v5 =	vmul.f32 v3, v4  }
0x82: {  	v3 =	vor.u32 v0, v6  }
0x83: {  	s11 =	simm.s32 $0x30;
	v4 =	vor.u32 $0x1, v3;
	v6 =	vsub.f32 $3.141592740e+00, v5  }
.LBB2_6:
0x84: {  	p2 =	sne.s32 s11, $0x7C0;
	vm0 =	vlt.f32 v2, $0.0e+00  }
0x85: {  	v2 =	vsel vm0, v6, v5;
	vm0 =	vgt.f32 v1, $1.000000000e+00  }
0x86: {  	s10 =	sadd.s32 $0x10, s10;
	v1 =	vsel vm0, $0x7FC00000, v2  }
0x87: {  	v2 =	vor.u32 $0x2, v3;
	[tilespmem:s10+$0x0] =	vst v1  }
0x88: {  	v1 =	vld.idx.msk [tilespmem:v4+s20+$0x0], $0xffff  }
0x89: {  	v4 =	vld.idx.msk [tilespmem:v4+s19+$0x0], $0xffff  }
0x8a: {  	v5 =	vld.idx.msk [tilespmem:v3+s20+$0x0], $0xffff  }
0x8b: {  	v3 =	vld.idx.msk [tilespmem:v3+s19+$0x0], $0xffff  }
0x8c: {  	v6 =	vld.idx.msk [tilespmem:v2+s20+$0x0], $0xffff  }
0x8d: {  	v2 =	vld.idx.msk [tilespmem:v2+s19+$0x0], $0xffff;
	_ =	sdelay $0x3  }
0x8e: {  	v1 =	vmul.f32 v1, v4;
	v3 =	vmul.f32 v5, v3;
	_ =	sdelay $0x1  }
0x8f: {  	v1 =	vadd.f32 v1, v3;
	v2 =	vmul.f32 v6, v2;
	_ =	sdelay $0x1  }
0x90: {  	v1 =	vadd.f32 v2, v1;
	_ =	sdelay $0x1  }
0x91: {  	v2 =	vmul.f32 $9.499999880e-01, v1;
	_ =	sdelay $0x1  }
0x92: {  	v1 =	vand.u32 $0x7FFFFFFF, v2  }
0x93: {  	v3 =	vsub.f32 $1.000000000e+00, v1;
	_ =	sdelay $0x1  }
0x94: {  	v3 =	vmax.f32 v3, $0.0e+00  }
0x95: {  	v4 =	vshra.s32 v3, $0x1;
	v5 =	vmul.f32 $5.000000000e-01, v3  }
0x96: {  	v4 =	vsub.s32 $0x5F3759DF, v4  }
0x97: {  	v6 =	vmul.f32 v4, v5;
	_ =	sdelay $0x1  }
0x98: {  	v6 =	vmul.f32 v4, v6;
	_ =	sdelay $0x1  }
0x99: {  	v6 =	vsub.f32 $1.500000000e+00, v6;
	_ =	sdelay $0x1  }
0x9a: {  	v4 =	vmul.f32 v4, v6;
	v6 =	vmul.f32 $-1.872929930e-02, v1;
	_ =	sdelay $0x1  }
0x9b: {  	v5 =	vmul.f32 v4, v5;
	v6 =	vadd.f32 $7.426100220e-02, v6;
	_ =	sdelay $0x1  }
0x9c: {  	v5 =	vmul.f32 v5, v4;
	v6 =	vmul.f32 v6, v1;
	_ =	sdelay $0x1  }
0x9d: {  	v5 =	vsub.f32 $1.500000000e+00, v5;
	v6 =	vadd.f32 $-2.121143940e-01, v6;
	_ =	sdelay $0x1  }
0x9e: {  	v4 =	vmul.f32 v5, v4;
	v5 =	vmul.f32 v6, v1;
	_ =	sdelay $0x1  }
.Ltmp2:
0x9f: {  	v3 =	vmul.f32 v4, v3;
	v4 =	vadd.f32 $1.570728780e+00, v5;
	(pc) =	sbr.rel @p2 .LBB2_6-.Ltmp2, $4  }
0xa0: {  	v5 =	vmov s11  }
0xa1: {  	v6 =	vshll.u32 v5, $0x3;
	v5 =	vmul.f32 v3, v4  }
0xa2: {  	v3 =	vor.u32 v0, v6  }
0xa3: {  	s11 =	sadd.s32 $0x10, s11;
	v4 =	vor.u32 $0x1, v3;
	v6 =	vsub.f32 $3.141592740e+00, v5  }
0xa4: {  	vm0 =	vlt.f32 v2, $0.0e+00  }
0xa5: {  	vm11 =	vgt.f32 v1, $1.000000000e+00;
	v2 =	vsel vm0, v6, v5  }
0xa6: {  	s10 =	sadd.s32 $0x10, s10;
	v1 =	vsel vm11, $0x7FC00000, v2  }
0xa7: {  	v2 =	vor.u32 $0x2, v3;
	[tilespmem:s10+$0x0] =	vst v1  }
0xa8: {  	v1 =	vld.idx.msk [tilespmem:v4+s20+$0x0], $0xffff  }
0xa9: {  	v4 =	vld.idx.msk [tilespmem:v4+s19+$0x0], $0xffff  }
0xaa: {  	v5 =	vld.idx.msk [tilespmem:v3+s20+$0x0], $0xffff  }
0xab: {  	v3 =	vld.idx.msk [tilespmem:v3+s19+$0x0], $0xffff  }
0xac: {  	v6 =	vld.idx.msk [tilespmem:v2+s20+$0x0], $0xffff  }
0xad: {  	v2 =	vld.idx.msk [tilespmem:v2+s19+$0x0], $0xffff;
	_ =	sdelay $0x2  }
0xae: {  	v3 =	vmul.f32 v5, v3;
	v1 =	vmul.f32 v1, v4;
	_ =	sdelay $0x1  }
0xaf: {  	v1 =	vadd.f32 v1, v3;
	v2 =	vmul.f32 v6, v2;
	_ =	sdelay $0x1  }
0xb0: {  	v1 =	vadd.f32 v2, v1;
	_ =	sdelay $0x1  }
0xb1: {  	v1 =	vmul.f32 $9.499999880e-01, v1;
	_ =	sdelay $0x1  }
0xb2: {  	v2 =	vand.u32 $0x7FFFFFFF, v1  }
0xb3: {  	v3 =	vsub.f32 $1.000000000e+00, v2;
	_ =	sdelay $0x1  }
0xb4: {  	v3 =	vmax.f32 v3, $0.0e+00  }
0xb5: {  	v4 =	vshra.s32 v3, $0x1;
	v5 =	vmul.f32 $5.000000000e-01, v3  }
0xb6: {  	v4 =	vsub.s32 $0x5F3759DF, v4  }
0xb7: {  	v6 =	vmul.f32 v4, v5;
	_ =	sdelay $0x1  }
0xb8: {  	v6 =	vmul.f32 v4, v6;
	_ =	sdelay $0x1  }
0xb9: {  	v6 =	vsub.f32 $1.500000000e+00, v6;
	_ =	sdelay $0x1  }
0xba: {  	v4 =	vmul.f32 v4, v6;
	v6 =	vmul.f32 $-1.872929930e-02, v2;
	_ =	sdelay $0x1  }
0xbb: {  	v5 =	vmul.f32 v4, v5;
	v6 =	vadd.f32 $7.426100220e-02, v6;
	_ =	sdelay $0x1  }
0xbc: {  	v5 =	vmul.f32 v5, v4;
	v6 =	vmul.f32 v6, v2;
	_ =	sdelay $0x1  }
0xbd: {  	v5 =	vsub.f32 $1.500000000e+00, v5;
	v6 =	vadd.f32 $-2.121143940e-01, v6;
	_ =	sdelay $0x1  }
0xbe: {  	v4 =	vmul.f32 v5, v4;
	v5 =	vmul.f32 v6, v2;
	_ =	sdelay $0x1  }
0xbf: {  	v3 =	vmul.f32 v4, v3;
	v4 =	vadd.f32 $1.570728780e+00, v5;
	_ =	sdelay $0x1  }
0xc0: {  	v3 =	vmul.f32 v3, v4;
	_ =	sdelay $0x1  }
0xc1: {  	s9 =	smul.u32 $0xFA0, s9;
	v4 =	vsub.f32 $3.141592740e+00, v3  }
0xc2: {  	vm12 =	vlt.f32 v1, $0.0e+00  }
0xc3: {  	s11 =	sadd.s32 s6, s9;
	vm13 =	vgt.f32 v2, $1.000000000e+00;
	v1 =	vsel vm12, v4, v3  }
0xc4: {  	s10 =	sadd.s32 $0x10, s10;
	s11 =	sshrl.u32 s11, $0x3;
	v1 =	vsel vm13, $0x7FC00000, v1  }
0xc5: {  	s12 =	sadd.s32 s4, s11;
	[tilespmem:s10+$0x0] =	vst v1;
	s10 =	simm.s32 @!p1 $0x1  }
0xc6: {  	[hbm4b:s12+s5] =	stream.linear.scatter [tilespmem:s26], [sflag:$0x5], $0x7D0, $0x38;
	[tilespmem:$0x128E0] =	vst v63  }
0xc7: {  	_ =	swait.ge @!p1 [sflag:s10], $0x7D0  }
0xc8: {  	[sflag:s10] =	ssyncset.done @!p1 $0x0  }
0xc9: {  	[sflag:s10] =	ssyncadd.s32 @!p1 $0xFFFFF830  }
0xca: {  	_ =	swait.ge @!p1 [sflag:s10], $0x7D0  }
0xcb: {  	s11 =	simm.s32 @!p1 $0x0;
	[sflag:s10] =	ssyncset.done @!p1 $0x0  }
0xcc: {  	s12 =	simm.s32 @!p1 $0x1F40;
	[sflag:s10] =	ssyncadd.s32 @!p1 $0xFFFFF830;
	s10 =	simm.s32 @!p1 $0x7D0  }
0xcd: {  	[tilespmem:s12], [sflag:$0x3] =	stream.indirect.gather @!p1 [hbm4b:s7+s10], $0x8, s11, s10, $0xb8;
	[tilespmem:$0x128E0] =	vst v63  }
0xce: {  	s15 =	simm.s32 @!p1 $0x9C40;
	s12 =	simm.s32 @!p1 $0xFA0  }
0xcf: {  	[tilespmem:s15], [sflag:$0x3] =	stream.indirect.gather @!p1 [hbm4b:s7+s10], $0x8, s12, s10, $0xb8;
	[tilespmem:$0x128E0] =	vst v63  }
0xd0: {  	_ =	swait.ge [sflag:s28], $0x3E80  }
0xd1: {  	[sflag:s28] =	ssyncset.done $0x0  }
0xd2: {  	[sflag:s28] =	ssyncadd.s32 $0xFFFFC180  }
0xd3: {  	s15 =	simm.s32 $0x0;
	_ =	swait.ge [sflag:s28], $0x3E80  }
0xd4: {  	v1 =	vmov s15;
	[sflag:s28] =	ssyncset.done $0x0  }
0xd5: {  	s12 =	simm.s32 @!p0 $0x6;
	v1 =	vshll.u32 v1, $0x3;
	[sflag:s28] =	ssyncadd.s32 $0xFFFFC180  }
0xd6: {  	s15 =	sadd.s32 @!p1 s9, s14;
	v1 =	vor.u32 v0, v1;
	_ =	swait.ge @!p0 [sflag:s12], $0x7D0  }
0xd7: {  	s15 =	sshrl.u32 @!p1 s15, $0x3;
	v2 =	vor.u32 $0x1, v1;
	[sflag:s12] =	ssyncset.done @!p0 $0x0  }
0xd8: {  	[sflag:s12] =	ssyncadd.s32 @!p0 $0xFFFFF830;
	s12 =	sadd.s32 @!p1 s1, s15  }
0xd9: {  	[tilespmem:s10], [sflag:$0x2] =	stream.linear.gather @!p1 [hbm4b:s12+s11], $0x7D0, $0x38;
	[tilespmem:$0x128E0] =	vst v63  }
0xda: {  	s10 =	sadd.s32 @!p1 s3, s15;
	s12 =	simm.s32 @!p1 $0x1770  }
0xdb: {  	v3 =	vor.u32 $0x2, v1;
	[tilespmem:s12], [sflag:$0x2] =	stream.linear.gather @!p1 [hbm4b:s10+s11], $0x7D0, $0x38;
	[tilespmem:$0x128E0] =	vst v63  }
0xdc: {  	v4 =	vld.idx.msk [tilespmem:v2+s24+$0x0], $0xffff  }
0xdd: {  	v2 =	vld.idx.msk [tilespmem:v2+s23+$0x0], $0xffff  }
0xde: {  	v5 =	vld.idx.msk [tilespmem:v1+s24+$0x0], $0xffff  }
0xdf: {  	v1 =	vld.idx.msk [tilespmem:v1+s23+$0x0], $0xffff  }
0xe0: {  	v6 =	vld.idx.msk [tilespmem:v3+s24+$0x0], $0xffff  }
0xe1: {  	v3 =	vld.idx.msk [tilespmem:v3+s23+$0x0], $0xffff;
	_ =	sdelay $0x2  }
0xe2: {  	v1 =	vmul.f32 v5, v1;
	v2 =	vmul.f32 v4, v2;
	_ =	sdelay $0x1  }
0xe3: {  	v1 =	vadd.f32 v2, v1;
	v2 =	vmul.f32 v6, v3;
	_ =	sdelay $0x1  }
0xe4: {  	v1 =	vadd.f32 v2, v1;
	_ =	sdelay $0x1  }
0xe5: {  	v1 =	vmul.f32 $9.499999880e-01, v1;
	_ =	sdelay $0x1  }
0xe6: {  	v2 =	vand.u32 $0x7FFFFFFF, v1  }
0xe7: {  	v3 =	vsub.f32 $1.000000000e+00, v2;
	_ =	sdelay $0x1  }
0xe8: {  	v3 =	vmax.f32 v3, $0.0e+00  }
0xe9: {  	v4 =	vshra.s32 v3, $0x1;
	v5 =	vmul.f32 $5.000000000e-01, v3  }
0xea: {  	v4 =	vsub.s32 $0x5F3759DF, v4  }
0xeb: {  	v6 =	vmul.f32 v4, v5;
	_ =	sdelay $0x1  }
0xec: {  	v6 =	vmul.f32 v4, v6;
	_ =	sdelay $0x1  }
0xed: {  	v6 =	vsub.f32 $1.500000000e+00, v6;
	_ =	sdelay $0x1  }
0xee: {  	v4 =	vmul.f32 v4, v6;
	v6 =	vmul.f32 $-1.872929930e-02, v2;
	_ =	sdelay $0x1  }
0xef: {  	v5 =	vmul.f32 v4, v5;
	v6 =	vadd.f32 $7.426100220e-02, v6;
	_ =	sdelay $0x1  }
0xf0: {  	v5 =	vmul.f32 v5, v4;
	v6 =	vmul.f32 v6, v2;
	_ =	sdelay $0x1  }
0xf1: {  	v5 =	vsub.f32 $1.500000000e+00, v5;
	v6 =	vadd.f32 $-2.121143940e-01, v6;
	_ =	sdelay $0x1  }
0xf2: {  	v4 =	vmul.f32 v5, v4;
	v5 =	vmul.f32 v6, v2;
	_ =	sdelay $0x1  }
0xf3: {  	s12 =	simm.s32 $0x10;
	v3 =	vmul.f32 v4, v3;
	v4 =	vadd.f32 $1.570728780e+00, v5  }
0xf4: {  	v5 =	vmov s12  }
0xf5: {  	v5 =	vshll.u32 v5, $0x3;
	v3 =	vmul.f32 v3, v4  }
0xf6: {  	v4 =	vor.u32 v0, v5  }
0xf7: {  	v5 =	vor.u32 $0x1, v4;
	v6 =	vsub.f32 $3.141592740e+00, v3  }
0xf8: {  	vm14 =	vlt.f32 v1, $0.0e+00  }
0xf9: {  	vm15 =	vgt.f32 v2, $1.000000000e+00;
	v1 =	vsel vm14, v6, v3  }
0xfa: {  	s10 =	simm.s32 $0x12110;
	v1 =	vsel vm15, $0x7FC00000, v1  }
0xfb: {  	v2 =	vor.u32 $0x2, v4;
	[tilespmem:s10+$0x0] =	vst v1  }
0xfc: {  	v1 =	vld.idx.msk [tilespmem:v5+s24+$0x0], $0xffff  }
0xfd: {  	v3 =	vld.idx.msk [tilespmem:v5+s23+$0x0], $0xffff  }
0xfe: {  	v5 =	vld.idx.msk [tilespmem:v4+s24+$0x0], $0xffff  }
0xff: {  	v4 =	vld.idx.msk [tilespmem:v4+s23+$0x0], $0xffff  }
0x100: {  	v6 =	vld.idx.msk [tilespmem:v2+s24+$0x0], $0xffff  }
0x101: {  	v2 =	vld.idx.msk [tilespmem:v2+s23+$0x0], $0xffff;
	_ =	sdelay $0x2  }
0x102: {  	v4 =	vmul.f32 v5, v4;
	v1 =	vmul.f32 v1, v3;
	_ =	sdelay $0x1  }
0x103: {  	v2 =	vmul.f32 v6, v2;
	v1 =	vadd.f32 v1, v4;
	_ =	sdelay $0x1  }
0x104: {  	v1 =	vadd.f32 v2, v1;
	_ =	sdelay $0x1  }
0x105: {  	v2 =	vmul.f32 $9.499999880e-01, v1;
	_ =	sdelay $0x1  }
0x106: {  	v1 =	vand.u32 $0x7FFFFFFF, v2  }
0x107: {  	v3 =	vsub.f32 $1.000000000e+00, v1;
	_ =	sdelay $0x1  }
0x108: {  	v3 =	vmax.f32 v3, $0.0e+00  }
0x109: {  	v4 =	vshra.s32 v3, $0x1;
	v5 =	vmul.f32 $5.000000000e-01, v3  }
0x10a: {  	v4 =	vsub.s32 $0x5F3759DF, v4  }
0x10b: {  	v6 =	vmul.f32 v4, v5;
	_ =	sdelay $0x1  }
0x10c: {  	v6 =	vmul.f32 v4, v6;
	_ =	sdelay $0x1  }
0x10d: {  	v6 =	vsub.f32 $1.500000000e+00, v6;
	_ =	sdelay $0x1  }
0x10e: {  	v4 =	vmul.f32 v4, v6;
	v6 =	vmul.f32 $-1.872929930e-02, v1;
	_ =	sdelay $0x1  }
0x10f: {  	v5 =	vmul.f32 v4, v5;
	v6 =	vadd.f32 $7.426100220e-02, v6;
	_ =	sdelay $0x1  }
0x110: {  	v5 =	vmul.f32 v5, v4;
	v6 =	vmul.f32 v6, v1;
	_ =	sdelay $0x1  }
0x111: {  	v5 =	vsub.f32 $1.500000000e+00, v5;
	v6 =	vadd.f32 $-2.121143940e-01, v6;
	_ =	sdelay $0x1  }
0x112: {  	v4 =	vmul.f32 v5, v4;
	v5 =	vmul.f32 v6, v1;
	_ =	sdelay $0x1  }
0x113: {  	s15 =	simm.s32 $0x20;
	v3 =	vmul.f32 v4, v3;
	v4 =	vadd.f32 $1.570728780e+00, v5  }
0x114: {  	v5 =	vmov s15  }
0x115: {  	v6 =	vshll.u32 v5, $0x3;
	v5 =	vmul.f32 v3, v4  }
0x116: {  	v3 =	vor.u32 v0, v6  }
0x117: {  	s11 =	simm.s32 $0x30;
	v4 =	vor.u32 $0x1, v3;
	v6 =	vsub.f32 $3.141592740e+00, v5  }
.LBB2_8:
0x118: {  	p0 =	sne.s32 s11, $0x7C0;
	vm0 =	vlt.f32 v2, $0.0e+00  }
0x119: {  	v2 =	vsel vm0, v6, v5;
	vm0 =	vgt.f32 v1, $1.000000000e+00  }
0x11a: {  	s10 =	sadd.s32 $0x10, s10;
	v1 =	vsel vm0, $0x7FC00000, v2  }
0x11b: {  	v2 =	vor.u32 $0x2, v3;
	[tilespmem:s10+$0x0] =	vst v1  }
0x11c: {  	v1 =	vld.idx.msk [tilespmem:v4+s24+$0x0], $0xffff  }
0x11d: {  	v4 =	vld.idx.msk [tilespmem:v4+s23+$0x0], $0xffff  }
0x11e: {  	v5 =	vld.idx.msk [tilespmem:v3+s24+$0x0], $0xffff  }
0x11f: {  	v3 =	vld.idx.msk [tilespmem:v3+s23+$0x0], $0xffff  }
0x120: {  	v6 =	vld.idx.msk [tilespmem:v2+s24+$0x0], $0xffff  }
0x121: {  	v2 =	vld.idx.msk [tilespmem:v2+s23+$0x0], $0xffff;
	_ =	sdelay $0x3  }
0x122: {  	v1 =	vmul.f32 v1, v4;
	v3 =	vmul.f32 v5, v3;
	_ =	sdelay $0x1  }
0x123: {  	v1 =	vadd.f32 v1, v3;
	v2 =	vmul.f32 v6, v2;
	_ =	sdelay $0x1  }
0x124: {  	v1 =	vadd.f32 v2, v1;
	_ =	sdelay $0x1  }
0x125: {  	v2 =	vmul.f32 $9.499999880e-01, v1;
	_ =	sdelay $0x1  }
0x126: {  	v1 =	vand.u32 $0x7FFFFFFF, v2  }
0x127: {  	v3 =	vsub.f32 $1.000000000e+00, v1;
	_ =	sdelay $0x1  }
0x128: {  	v3 =	vmax.f32 v3, $0.0e+00  }
0x129: {  	v4 =	vshra.s32 v3, $0x1;
	v5 =	vmul.f32 $5.000000000e-01, v3  }
0x12a: {  	v4 =	vsub.s32 $0x5F3759DF, v4  }
0x12b: {  	v6 =	vmul.f32 v4, v5;
	_ =	sdelay $0x1  }
0x12c: {  	v6 =	vmul.f32 v4, v6;
	_ =	sdelay $0x1  }
0x12d: {  	v6 =	vsub.f32 $1.500000000e+00, v6;
	_ =	sdelay $0x1  }
0x12e: {  	v4 =	vmul.f32 v4, v6;
	v6 =	vmul.f32 $-1.872929930e-02, v1;
	_ =	sdelay $0x1  }
0x12f: {  	v5 =	vmul.f32 v4, v5;
	v6 =	vadd.f32 $7.426100220e-02, v6;
	_ =	sdelay $0x1  }
0x130: {  	v5 =	vmul.f32 v5, v4;
	v6 =	vmul.f32 v6, v1;
	_ =	sdelay $0x1  }
0x131: {  	v5 =	vsub.f32 $1.500000000e+00, v5;
	v6 =	vadd.f32 $-2.121143940e-01, v6;
	_ =	sdelay $0x1  }
0x132: {  	v4 =	vmul.f32 v5, v4;
	v5 =	vmul.f32 v6, v1;
	_ =	sdelay $0x1  }
.Ltmp3:
0x133: {  	v3 =	vmul.f32 v4, v3;
	v4 =	vadd.f32 $1.570728780e+00, v5;
	(pc) =	sbr.rel @p0 .LBB2_8-.Ltmp3, $4  }
0x134: {  	v5 =	vmov s11  }
0x135: {  	v6 =	vshll.u32 v5, $0x3;
	v5 =	vmul.f32 v3, v4  }
0x136: {  	v3 =	vor.u32 v0, v6  }
0x137: {  	s11 =	sadd.s32 $0x10, s11;
	v4 =	vor.u32 $0x1, v3;
	v6 =	vsub.f32 $3.141592740e+00, v5  }
0x138: {  	vm0 =	vlt.f32 v2, $0.0e+00  }
0x139: {  	vm13 =	vgt.f32 v1, $1.000000000e+00;
	v2 =	vsel vm0, v6, v5  }
0x13a: {  	s10 =	sadd.s32 $0x10, s10;
	v1 =	vsel vm13, $0x7FC00000, v2  }
0x13b: {  	v2 =	vor.u32 $0x2, v3;
	[tilespmem:s10+$0x0] =	vst v1  }
0x13c: {  	v1 =	vld.idx.msk [tilespmem:v4+s24+$0x0], $0xffff  }
0x13d: {  	v55 =	vld.idx.msk [tilespmem:v4+s23+$0x0], $0xffff  }
0x13e: {  	v56 =	vld.idx.msk [tilespmem:v3+s24+$0x0], $0xffff  }
0x13f: {  	v3 =	vld.idx.msk [tilespmem:v3+s23+$0x0], $0xffff  }
0x140: {  	v57 =	vld.idx.msk [tilespmem:v2+s24+$0x0], $0xffff  }
0x141: {  	v2 =	vld.idx.msk [tilespmem:v2+s23+$0x0], $0xffff;
	_ =	sdelay $0x2  }
0x142: {  	v3 =	vmul.f32 v56, v3;
	v1 =	vmul.f32 v1, v55;
	_ =	sdelay $0x1  }
0x143: {  	v1 =	vadd.f32 v1, v3;
	v2 =	vmul.f32 v57, v2;
	_ =	sdelay $0x1  }
0x144: {  	v1 =	vadd.f32 v2, v1;
	_ =	sdelay $0x1  }
0x145: {  	v1 =	vmul.f32 $9.499999880e-01, v1;
	_ =	sdelay $0x1  }
0x146: {  	v2 =	vand.u32 $0x7FFFFFFF, v1  }
0x147: {  	v3 =	vsub.f32 $1.000000000e+00, v2;
	_ =	sdelay $0x1  }
0x148: {  	v3 =	vmax.f32 v3, $0.0e+00  }
0x149: {  	v58 =	vshra.s32 v3, $0x1;
	v59 =	vmul.f32 $5.000000000e-01, v3  }
0x14a: {  	v4 =	vsub.s32 $0x5F3759DF, v58  }
0x14b: {  	v60 =	vmul.f32 v4, v59;
	_ =	sdelay $0x1  }
0x14c: {  	v6 =	vmul.f32 v4, v60;
	_ =	sdelay $0x1  }
0x14d: {  	v6 =	vsub.f32 $1.500000000e+00, v6;
	_ =	sdelay $0x1  }
0x14e: {  	v61 =	vmul.f32 $-1.872929930e-02, v2;
	v4 =	vmul.f32 v4, v6;
	_ =	sdelay $0x1  }
0x14f: {  	v6 =	vadd.f32 $7.426100220e-02, v61;
	v5 =	vmul.f32 v4, v59;
	_ =	sdelay $0x1  }
0x150: {  	v6 =	vmul.f32 v6, v2;
	v5 =	vmul.f32 v5, v4;
	_ =	sdelay $0x1  }
0x151: {  	v6 =	vadd.f32 $-2.121143940e-01, v6;
	v5 =	vsub.f32 $1.500000000e+00, v5;
	_ =	sdelay $0x1  }
0x152: {  	v62 =	vmul.f32 v6, v2;
	v4 =	vmul.f32 v5, v4;
	_ =	sdelay $0x1  }
0x153: {  	v63 =	vadd.f32 $1.570728780e+00, v62;
	v3 =	vmul.f32 v4, v3;
	_ =	sdelay $0x1  }
0x154: {  	v3 =	vmul.f32 v3, v63;
	_ =	sdelay $0x1  }
0x155: {  	v4 =	vsub.f32 $3.141592740e+00, v3  }
0x156: {  	p0 =	slt.u32 s0, $0x64;
	vm14 =	vlt.f32 v1, $0.0e+00  }
.Ltmp4:
0x157: {  	s9 =	sadd.s32 s9, s8;
	vm15 =	vgt.f32 v2, $1.000000000e+00;
	v1 =	vsel vm14, v4, v3;
	(pc) =	sbr.rel @p0 .LBB2_2-.Ltmp4, $4  }
0x158: {  	s9 =	sshrl.u32 s9, $0x3;
	s10 =	sadd.s32 $0x10, s10;
	v1 =	vsel vm15, $0x7FC00000, v1  }
0x159: {  	s9 =	sadd.s32 s4, s9;
	[tilespmem:s10+$0x0] =	vst v1  }
0x15a: {  	[hbm4b:s9+s5] =	stream.linear.scatter [tilespmem:s29], [sflag:$0x6], $0x7D0, $0x38;
	[tilespmem:$0x128E0] =	vst v63  }
0x15b: {  	s9 =	smov.u32 s0  }
0x15c: {  	_ =	swait.ge [sflag:s30], $0x7D0  }
0x15d: {  	[sflag:s30] =	ssyncset.done $0x0  }
0x15e: {  	[sflag:s30] =	ssyncadd.s32 $0xFFFFF830  }
0x15f: {  	_ =	swait.ge [sflag:s31], $0x7D0  }
0x160: {  	s2 =	sadd.s32 $0x1, s2;
	s0 =	rddreg [dreg:$0x9]  }
0x161: {  	p0 =	sne.s32 s2, s0  }
.Ltmp5:
0x162: {  	_ = 	snop;
	(pc) =	sbr.rel @p0 .LBB2_1-.Ltmp5, $3  }
0x163: {  	_ =	sdelay $0x1  }
0x164: {  	[sflag:s31] =	ssyncset.done $0x0  }
0x165: {  	[sflag:s31] =	ssyncadd.s32 $0xFFFFF830  }
0x166: {  	_ =	sfence.sel $0x180000  }
0x167: {  	[bflag:$0x0] =	sbarrier.arrive $0xFFFF  }
0x168: {  	_ =	strace $0x9000004A  }
0x169: {  	s0 =	stileid.u32;
	[bflag:$0x2] =	sbarrier.arrive $0xFFFF  }
0x16a: {  	p0 =	sne.s32 s0, $0x0;
	s0 =	rddreg [dreg:$0x4]  }
0x16b: {  	s0 =	sadd.s32 @!p0 $0x100000, s0  }
0x16c: {  	[sflag:s0] =	ssyncadd.tile.s32 @!p0 $0x1;
	_ =	shalt  }
.Lfunc_end2:
_tile_overlayer_lowered:
.L_overlay_start_2:
0x16d: {  	(tag) =	ssettag $0x2  }
0x16e: {  	s0 =	rddreg [dreg:$0x0];
	s2 =	stileid.u32  }
0x16f: {  	s1 =	rddreg [dreg:$0x1];
	p0 =	sne.s32 s2, $0x0  }
0x170: {  	s3 =	rddreg [dreg:$0x2];
	[bflag:$0x3] =	sbarrier.arrive $0xFFFF;
	s2 =	simm.s32 @!p0 $0x1C07  }
0x171: {  	[timem:s3], [sflag:s2] =	dma.local @!p0 [hbm:s0], s1  }
0x172: {  	s0 =	simm.s32 @!p0 $0x7  }
0x173: {  	_ =	swait.ge @!p0 [sflag:s0], s1  }
0x174: {  	s1 =	ssub.s32 @!p0 $0x0, s1;
	[sflag:s0] =	ssyncset.done @!p0 $0x0  }
0x175: {  	[sflag:s0] =	ssyncadd.s32 @!p0 s1  }
0x176: {  	[bflag:$0x3] =	sbarrier.arrive $0xFFFF  }
0x177: {  	_ =	shalt  }

</sc_bundles>
